<compile_context>
chip_gen: v7x
topology: tpu7x:2x2x1
jax: 0.10.2.dev20260603
libtpu: 0.0.44.dev20260713+nightly
codegen_flags: <defaults>
</compile_context>

<pallas_src>
import functools

import jax
import jax.numpy as jnp
from jax import lax
from jax.experimental import pallas as pl
from jax.experimental.pallas import tpu as pltpu
from jax.experimental.pallas import tpu_sc as plsc

N = 10000
E = 320000
D = 128
D_OUT = 512

NC = 2
NS = 16
NW = NC * NS
CHUNK = 128
NCHUNKH = 40
NCHUNK = 2 * NCHUNKH
EPW = NCHUNK * CHUNK
EP = NW * EPW
DUMMY = N
NPAD = N + 8
RPT = 632
RPT_LAST = N - (NS - 1) * RPT


def _sc_aggregate(x, col_w, row_w):
    mesh = plsc.VectorSubcoreMesh(core_axis_name="c", subcore_axis_name="s")

    @functools.partial(
        pl.kernel,
        out_type=jax.ShapeDtypeStruct((NC, N, D), jnp.float32),
        mesh=mesh,
        scratch_types=[
            pltpu.VMEM((NCHUNK, CHUNK), jnp.int32),
            pltpu.VMEM((NCHUNKH, CHUNK), jnp.int32),
            pltpu.VMEM((2, CHUNK, D), jnp.float32),
            pltpu.VMEM_SHARED((NPAD, D), jnp.float32),
            pltpu.SemaphoreType.DMA((2,)),
        ],
    )
    def sc_kernel(x_hbm, col_hbm, row_hbm, out_hbm, col_v, row_v, rows_v,
                  acc_sh, sem):
        c = lax.axis_index("c")
        s = lax.axis_index("s")
        wid = c * NS + s

        pltpu.sync_copy(col_hbm.at[wid], col_v)
        pltpu.sync_copy(row_hbm.at[wid, 0], row_v)

        @pl.when(s < NS - 1)
        def _():
            pltpu.sync_copy(x_hbm.at[pl.ds(s * RPT, RPT)],
                            acc_sh.at[pl.ds(s * RPT, RPT)])

        @pl.when(s == NS - 1)
        def _():
            pltpu.sync_copy(x_hbm.at[pl.ds((NS - 1) * RPT, RPT_LAST)],
                            acc_sh.at[pl.ds((NS - 1) * RPT, RPT_LAST)])

        plsc.subcore_barrier()

        def emit_half(jbase):
            def pair(i, carry):
                j0 = jbase + 2 * i
                d0 = pltpu.async_copy(x_hbm.at[col_v.at[j0]], rows_v.at[0],
                                      sem.at[0])
                d1 = pltpu.async_copy(x_hbm.at[col_v.at[j0 + 1]],
                                      rows_v.at[1], sem.at[1])
                d0.wait()
                d1.wait()
                pltpu.sync_copy(rows_v.at[0],
                                acc_sh.at[row_v.at[2 * i]], add=True)
                pltpu.sync_copy(rows_v.at[1],
                                acc_sh.at[row_v.at[2 * i + 1]], add=True)
                return carry

            lax.fori_loop(0, NCHUNKH // 2, pair, 0)

        emit_half(0)
        pltpu.sync_copy(row_hbm.at[wid, 1], row_v)
        emit_half(NCHUNKH)
        plsc.subcore_barrier()

        @pl.when(s < NS - 1)
        def _():
            pltpu.sync_copy(acc_sh.at[pl.ds(s * RPT, RPT)],
                            out_hbm.at[c, pl.ds(s * RPT, RPT)])

        @pl.when(s == NS - 1)
        def _():
            pltpu.sync_copy(acc_sh.at[pl.ds((NS - 1) * RPT, RPT_LAST)],
                            out_hbm.at[c, pl.ds((NS - 1) * RPT, RPT_LAST)])

    return sc_kernel(x, col_w, row_w)


def _combine_matmul(x, acc, W, b):
    BLK = 1000
    grid = N // BLK

    def tc_kernel(x_ref, a0_ref, a1_ref, w_ref, b_ref, o_ref):
        sm = a0_ref[...] + a1_ref[...] - x_ref[...]
        o_ref[...] = lax.dot_general(
            sm, w_ref[...], (((1,), (1,)), ((), ())),
            preferred_element_type=jnp.float32) + b_ref[...]

    return pl.pallas_call(
        tc_kernel,
        grid=(grid,),
        in_specs=[
            pl.BlockSpec((BLK, D), lambda i: (i, 0)),
            pl.BlockSpec((BLK, D), lambda i: (i, 0)),
            pl.BlockSpec((BLK, D), lambda i: (i, 0)),
            pl.BlockSpec((D_OUT, D), lambda i: (0, 0)),
            pl.BlockSpec((1, D_OUT), lambda i: (0, 0)),
        ],
        out_specs=pl.BlockSpec((BLK, D_OUT), lambda i: (i, 0)),
        out_shape=jax.ShapeDtypeStruct((N, D_OUT), jnp.float32),
    )(x, acc[0], acc[1], W, b.reshape(1, D_OUT))


def kernel(x, edge_index, W, b):
    ei = edge_index.astype(jnp.int32)
    row = ei[0]
    col = ei[1]
    pad = EP - E
    row_w = jnp.concatenate(
        [row, jnp.full((pad,), DUMMY, jnp.int32)]).reshape(
            NW, 2, NCHUNKH, CHUNK)
    col_w = jnp.concatenate(
        [col, jnp.zeros((pad,), jnp.int32)]).reshape(NW, NCHUNK, CHUNK)
    acc = _sc_aggregate(x, col_w, row_w)
    return _combine_matmul(x, acc, W, b)

# --- scband reference (transcript-rebuilt; emitter-appended) ---
"""Pipeline reference for scband-ganconv-25357486916125 (READ-ONLY COPY).

The authoritative reference and input builder live on the scoring server;
editing this copy changes nothing except your own understanding.
"""

import jax, jax.numpy as jnp
import numpy as np

N = 10000
E = 320000
D_IN = 128
HIDDEN = 128
GATES = 4
D_OUT = HIDDEN * GATES

def setup_inputs(seed: int = 0) -> dict:
    key = jax.random.key(seed)
    k1, k2, k3, k4 = jax.random.split(key, 4)
    x = jax.random.normal(k1, (N, D_IN), dtype=jnp.float32)
    edge_index = jax.random.randint(k2, (2, E), 0, N, dtype=jnp.int64)
    # Linear(input_size, hidden_size * gates_num, bias=True): weight [D_OUT, D_IN], bias [D_OUT]
    bound = 1.0 / np.sqrt(D_IN)
    W = jax.random.uniform(k3, (D_OUT, D_IN), dtype=jnp.float32, minval=-bound, maxval=bound)
    b = jax.random.uniform(k4, (D_OUT,), dtype=jnp.float32, minval=-bound, maxval=bound)
    return {"x": x, "edge_index": edge_index, "W": W, "b": b}

def reference(x, edge_index, W, b):
    row = edge_index[0]
    col = edge_index[1]
    # scatter_add(x[col], row, dim=0, dim_size=N)
    agg = jnp.zeros((x.shape[0], x.shape[1]), dtype=x.dtype).at[row].add(x[col])
    out = x + agg
    out = out @ W.T + b
    return out

if __name__ == "__main__":
    import jax
    _d = setup_inputs()
    print(jax.jit(kernel)(*tuple(_d.values())))

</pallas_src>

<mosaic_0001>
#map = affine_map<(d0, d1) -> (0, 0)>
#map1 = affine_map<(d0, d1) -> (0, 0, 0)>
#map2 = affine_map<(d0, d1) -> (0, 0, 0, 0)>
module attributes {stable_mosaic.version = 14 : i64} {
  func.func @sc_kernel(%arg0: i32, %arg1: i32, %arg2: memref<10000x128xf32, #tpu.memory_space<hbm>>, %arg3: memref<32x80x128xi32, #tpu.memory_space<hbm>>, %arg4: memref<32x2x40x128xi32, #tpu.memory_space<hbm>>, %arg5: memref<2x10000x128xf32, #tpu.memory_space<hbm>>, %arg6: memref<80x128xi32, #tpu.memory_space<vmem>>, %arg7: memref<40x128xi32, #tpu.memory_space<vmem>>, %arg8: memref<2x128x128xf32, #tpu.memory_space<vmem>>, %arg9: memref<10008x128xf32, #tpu.memory_space<vmem_shared>>, %arg10: memref<2x!tpu.dma_semaphore, #tpu.memory_space<semaphore_mem>>) attributes {dimension_semantics = [#tpu.dimension_semantics<core_parallel>, #tpu.dimension_semantics<subcore_parallel>], iteration_bounds = array<i64: 2, 16>, scalar_prefetch = 0 : i64, scratch_operands = 5 : i64, tpu.core_type = #tpu.core_type<sc_vector_subcore>, window_params = [{transform_indices = #map}, {transform_indices = #map1}, {transform_indices = #map2}, {transform_indices = #map1}]} {
    %mul3A = arith.constant 16 : i32
    %mul3A_0 = arith.muli %arg0, %mul3A : i32
    %add3A = arith.addi %mul3A_0, %arg1 : i32
    "tpu.region"() ({
      %run_scoped3A_30 = tpu.sem_alloc : memref<!tpu.dma_semaphore, #tpu.memory_space<semaphore_mem>>
      %dma_start3A = arith.constant 0 : i32
      %dma_start3A_31 = arith.constant 0 : i32
      %dma_start3A_32 = tpu.memref_slice %arg3[%add3A, %dma_start3A, %dma_start3A_31] : memref<32x80x128xi32, #tpu.memory_space<hbm>> -> memref<1x80x128xi32, #tpu.memory_space<hbm>>
      %dma_start3A_33 = tpu.memref_squeeze %dma_start3A_32 : memref<1x80x128xi32, #tpu.memory_space<hbm>> -> memref<80x128xi32, #tpu.memory_space<hbm>>
      %dma_start3A_34 = arith.constant 0 : i32
      %dma_start3A_35 = arith.constant 0 : i32
      %dma_start3A_36 = tpu.memref_slice %arg3[%add3A, %dma_start3A_34, %dma_start3A_35] : memref<32x80x128xi32, #tpu.memory_space<hbm>> -> memref<1x80x128xi32, #tpu.memory_space<hbm>>
      %dma_start3A_37 = tpu.memref_squeeze %dma_start3A_36 : memref<1x80x128xi32, #tpu.memory_space<hbm>> -> memref<80x128xi32, #tpu.memory_space<hbm>>
      tpu.enqueue_dma source(%dma_start3A_37 : memref<80x128xi32, #tpu.memory_space<hbm>>) target(%arg6 : memref<80x128xi32, #tpu.memory_space<vmem>>) target_semaphore(%run_scoped3A_30 : memref<!tpu.dma_semaphore, #tpu.memory_space<semaphore_mem>>)
      %dma_wait3A = arith.constant 0 : i32
      %dma_wait3A_38 = arith.constant 0 : i32
      %dma_wait3A_39 = tpu.memref_slice %arg3[%add3A, %dma_wait3A, %dma_wait3A_38] : memref<32x80x128xi32, #tpu.memory_space<hbm>> -> memref<1x80x128xi32, #tpu.memory_space<hbm>>
      %dma_wait3A_40 = tpu.memref_squeeze %dma_wait3A_39 : memref<1x80x128xi32, #tpu.memory_space<hbm>> -> memref<80x128xi32, #tpu.memory_space<hbm>>
      %dma_wait3A_41 = arith.constant 0 : i32
      %dma_wait3A_42 = arith.constant 0 : i32
      %dma_wait3A_43 = tpu.memref_slice %arg3[%add3A, %dma_wait3A_41, %dma_wait3A_42] : memref<32x80x128xi32, #tpu.memory_space<hbm>> -> memref<1x80x128xi32, #tpu.memory_space<hbm>>
      %dma_wait3A_44 = tpu.memref_squeeze %dma_wait3A_43 : memref<1x80x128xi32, #tpu.memory_space<hbm>> -> memref<80x128xi32, #tpu.memory_space<hbm>>
      tpu.wait_dma2 semaphore(%run_scoped3A_30 : memref<!tpu.dma_semaphore, #tpu.memory_space<semaphore_mem>>) src(%dma_wait3A_44 : memref<80x128xi32, #tpu.memory_space<hbm>>) dst(%arg6 : memref<80x128xi32, #tpu.memory_space<vmem>>)
      tpu.yield
    }) : () -> ()
    %run_scoped3A = arith.constant 0 : i32
    "tpu.region"() ({
      %run_scoped3A_30 = tpu.sem_alloc : memref<!tpu.dma_semaphore, #tpu.memory_space<semaphore_mem>>
      %dma_start3A = arith.constant 0 : i32
      %dma_start3A_31 = arith.constant 0 : i32
      %dma_start3A_32 = tpu.memref_slice %arg4[%add3A, %run_scoped3A, %dma_start3A, %dma_start3A_31] : memref<32x2x40x128xi32, #tpu.memory_space<hbm>> -> memref<1x1x40x128xi32, #tpu.memory_space<hbm>>
      %dma_start3A_33 = tpu.memref_squeeze %dma_start3A_32 : memref<1x1x40x128xi32, #tpu.memory_space<hbm>> -> memref<40x128xi32, #tpu.memory_space<hbm>>
      %dma_start3A_34 = arith.constant 0 : i32
      %dma_start3A_35 = arith.constant 0 : i32
      %dma_start3A_36 = tpu.memref_slice %arg4[%add3A, %run_scoped3A, %dma_start3A_34, %dma_start3A_35] : memref<32x2x40x128xi32, #tpu.memory_space<hbm>> -> memref<1x1x40x128xi32, #tpu.memory_space<hbm>>
      %dma_start3A_37 = tpu.memref_squeeze %dma_start3A_36 : memref<1x1x40x128xi32, #tpu.memory_space<hbm>> -> memref<40x128xi32, #tpu.memory_space<hbm>>
      tpu.enqueue_dma source(%dma_start3A_37 : memref<40x128xi32, #tpu.memory_space<hbm>>) target(%arg7 : memref<40x128xi32, #tpu.memory_space<vmem>>) target_semaphore(%run_scoped3A_30 : memref<!tpu.dma_semaphore, #tpu.memory_space<semaphore_mem>>)
      %dma_wait3A = arith.constant 0 : i32
      %dma_wait3A_38 = arith.constant 0 : i32
      %dma_wait3A_39 = tpu.memref_slice %arg4[%add3A, %run_scoped3A, %dma_wait3A, %dma_wait3A_38] : memref<32x2x40x128xi32, #tpu.memory_space<hbm>> -> memref<1x1x40x128xi32, #tpu.memory_space<hbm>>
      %dma_wait3A_40 = tpu.memref_squeeze %dma_wait3A_39 : memref<1x1x40x128xi32, #tpu.memory_space<hbm>> -> memref<40x128xi32, #tpu.memory_space<hbm>>
      %dma_wait3A_41 = arith.constant 0 : i32
      %dma_wait3A_42 = arith.constant 0 : i32
      %dma_wait3A_43 = tpu.memref_slice %arg4[%add3A, %run_scoped3A, %dma_wait3A_41, %dma_wait3A_42] : memref<32x2x40x128xi32, #tpu.memory_space<hbm>> -> memref<1x1x40x128xi32, #tpu.memory_space<hbm>>
      %dma_wait3A_44 = tpu.memref_squeeze %dma_wait3A_43 : memref<1x1x40x128xi32, #tpu.memory_space<hbm>> -> memref<40x128xi32, #tpu.memory_space<hbm>>
      tpu.wait_dma2 semaphore(%run_scoped3A_30 : memref<!tpu.dma_semaphore, #tpu.memory_space<semaphore_mem>>) src(%dma_wait3A_44 : memref<40x128xi32, #tpu.memory_space<hbm>>) dst(%arg7 : memref<40x128xi32, #tpu.memory_space<vmem>>)
      tpu.yield
    }) : () -> ()
    %lt3A = arith.constant 15 : i32
    %lt3A_1 = arith.cmpi slt, %arg1, %lt3A : i32
    %convert_element_type3A = arith.extui %lt3A_1 : i1 to i32
    %cond3A = arith.constant 0 : i32
    %cond3A_2 = arith.cmpi ne, %convert_element_type3A, %cond3A : i32
    scf.if %cond3A_2 {
      %mul3A_30 = arith.constant 632 : i32
      %mul3A_31 = arith.muli %arg1, %mul3A_30 : i32
      %mul3A_32 = arith.constant 632 : i32
      %mul3A_33 = arith.muli %arg1, %mul3A_32 : i32
      "tpu.region"() ({
        %run_scoped3A_34 = tpu.sem_alloc : memref<!tpu.dma_semaphore, #tpu.memory_space<semaphore_mem>>
        %dma_start3A = arith.constant 0 : i32
        %dma_start3A_35 = tpu.memref_slice %arg9[%mul3A_33, %dma_start3A] : memref<10008x128xf32, #tpu.memory_space<vmem_shared>> -> memref<632x128xf32, #tpu.memory_space<vmem_shared>>
        %dma_start3A_36 = arith.constant 0 : i32
        %dma_start3A_37 = tpu.memref_slice %arg2[%mul3A_31, %dma_start3A_36] : memref<10000x128xf32, #tpu.memory_space<hbm>> -> memref<632x128xf32, #tpu.memory_space<hbm>>
        tpu.enqueue_dma source(%dma_start3A_37 : memref<632x128xf32, #tpu.memory_space<hbm>>) target(%dma_start3A_35 : memref<632x128xf32, #tpu.memory_space<vmem_shared>>) target_semaphore(%run_scoped3A_34 : memref<!tpu.dma_semaphore, #tpu.memory_space<semaphore_mem>>)
        %dma_wait3A = arith.constant 0 : i32
        %dma_wait3A_38 = tpu.memref_slice %arg9[%mul3A_33, %dma_wait3A] : memref<10008x128xf32, #tpu.memory_space<vmem_shared>> -> memref<632x128xf32, #tpu.memory_space<vmem_shared>>
        %dma_wait3A_39 = arith.constant 0 : i32
        %dma_wait3A_40 = tpu.memref_slice %arg2[%mul3A_31, %dma_wait3A_39] : memref<10000x128xf32, #tpu.memory_space<hbm>> -> memref<632x128xf32, #tpu.memory_space<hbm>>
        tpu.wait_dma2 semaphore(%run_scoped3A_34 : memref<!tpu.dma_semaphore, #tpu.memory_space<semaphore_mem>>) src(%dma_wait3A_40 : memref<632x128xf32, #tpu.memory_space<hbm>>) dst(%dma_wait3A_38 : memref<632x128xf32, #tpu.memory_space<vmem_shared>>)
        tpu.yield
      }) : () -> ()
    } else {
    }
    %eq3A = arith.constant 15 : i32
    %eq3A_3 = arith.cmpi eq, %arg1, %eq3A : i32
    %convert_element_type3A_4 = arith.extui %eq3A_3 : i1 to i32
    %cond3A_5 = arith.constant 0 : i32
    %cond3A_6 = arith.cmpi ne, %convert_element_type3A_4, %cond3A_5 : i32
    scf.if %cond3A_6 {
      "tpu.region"() ({
        %run_scoped3A_30 = tpu.sem_alloc : memref<!tpu.dma_semaphore, #tpu.memory_space<semaphore_mem>>
        %dma_start3A = arith.constant 9480 : i32
        %dma_start3A_31 = arith.constant 0 : i32
        %dma_start3A_32 = tpu.memref_slice %arg9[%dma_start3A, %dma_start3A_31] : memref<10008x128xf32, #tpu.memory_space<vmem_shared>> -> memref<520x128xf32, #tpu.memory_space<vmem_shared>>
        %dma_start3A_33 = arith.constant 9480 : i32
        %dma_start3A_34 = arith.constant 0 : i32
        %dma_start3A_35 = tpu.memref_slice %arg2[%dma_start3A_33, %dma_start3A_34] : memref<10000x128xf32, #tpu.memory_space<hbm>> -> memref<520x128xf32, #tpu.memory_space<hbm>>
        tpu.enqueue_dma source(%dma_start3A_35 : memref<520x128xf32, #tpu.memory_space<hbm>>) target(%dma_start3A_32 : memref<520x128xf32, #tpu.memory_space<vmem_shared>>) target_semaphore(%run_scoped3A_30 : memref<!tpu.dma_semaphore, #tpu.memory_space<semaphore_mem>>)
        %dma_wait3A = arith.constant 9480 : i32
        %dma_wait3A_36 = arith.constant 0 : i32
        %dma_wait3A_37 = tpu.memref_slice %arg9[%dma_wait3A, %dma_wait3A_36] : memref<10008x128xf32, #tpu.memory_space<vmem_shared>> -> memref<520x128xf32, #tpu.memory_space<vmem_shared>>
        %dma_wait3A_38 = arith.constant 9480 : i32
        %dma_wait3A_39 = arith.constant 0 : i32
        %dma_wait3A_40 = tpu.memref_slice %arg2[%dma_wait3A_38, %dma_wait3A_39] : memref<10000x128xf32, #tpu.memory_space<hbm>> -> memref<520x128xf32, #tpu.memory_space<hbm>>
        tpu.wait_dma2 semaphore(%run_scoped3A_30 : memref<!tpu.dma_semaphore, #tpu.memory_space<semaphore_mem>>) src(%dma_wait3A_40 : memref<520x128xf32, #tpu.memory_space<hbm>>) dst(%dma_wait3A_37 : memref<520x128xf32, #tpu.memory_space<vmem_shared>>)
        tpu.yield
      }) : () -> ()
    } else {
    }
    %barrier3A = arith.constant 0 : index
    tpu.barrier barrier_id(%barrier3A)
    %scan3A = arith.constant 0 : i32
    %scan3A_7 = arith.constant 0 : i32
    %scan3A_8 = arith.constant 20 : i32
    %scan3A_9 = arith.addi %scan3A_7, %scan3A_8 : i32
    %scan3A_10 = arith.constant 1 : i32
    scf.for %scan3A_30 = %scan3A_7 to %scan3A_9 step %scan3A_10  : i32 {
      %mul3A_31 = arith.constant 2 : i32
      %mul3A_32 = arith.muli %mul3A_31, %scan3A_30 : i32
      %add3A_33 = arith.constant 0 : i32
      %add3A_34 = arith.addi %add3A_33, %mul3A_32 : i32
      %dma_start3A = arith.constant 0 : i32
      %dma_start3A_35 = arith.constant 0 : i32
      %dma_start3A_36 = arith.constant 0 : i32
      %dma_start3A_37 = arith.constant 0 : i32
      %dma_start3A_38 = tpu.memref_slice %arg8[%dma_start3A, %dma_start3A_36, %dma_start3A_37] : memref<2x128x128xf32, #tpu.memory_space<vmem>> -> memref<1x128x128xf32, #tpu.memory_space<vmem>>
      %dma_start3A_39 = tpu.memref_squeeze %dma_start3A_38 : memref<1x128x128xf32, #tpu.memory_space<vmem>> -> memref<128x128xf32, #tpu.memory_space<vmem>>
      %dma_start3A_40 = arith.constant 0 : i32
      %dma_start3A_41 = tpu.memref_slice %arg6[%add3A_34, %dma_start3A_40] : memref<80x128xi32, #tpu.memory_space<vmem>> -> memref<1x128xi32, #tpu.memory_space<vmem>>
      %dma_start3A_42 = tpu.memref_squeeze %dma_start3A_41 : memref<1x128xi32, #tpu.memory_space<vmem>> -> memref<128xi32, #tpu.memory_space<vmem>>
      %dma_start3A_43 = arith.constant 0 : i32
      %dma_start3A_44 = arith.constant 0 : i32
      %dma_start3A_45 = tpu.memref_slice %arg2[%dma_start3A_43, %dma_start3A_44] : memref<10000x128xf32, #tpu.memory_space<hbm>> -> memref<10000x128xf32, #tpu.memory_space<hbm>>
      %dma_start3A_46 = tpu.memref_slice %arg10[%dma_start3A_35] : memref<2x!tpu.dma_semaphore, #tpu.memory_space<semaphore_mem>> -> memref<1x!tpu.dma_semaphore, #tpu.memory_space<semaphore_mem>>
      %dma_start3A_47 = tpu.memref_squeeze %dma_start3A_46 : memref<1x!tpu.dma_semaphore, #tpu.memory_space<semaphore_mem>> -> memref<!tpu.dma_semaphore, #tpu.memory_space<semaphore_mem>>
      tpu.enqueue_indirect_dma source(%dma_start3A_45 : memref<10000x128xf32, #tpu.memory_space<hbm>>) target(%dma_start3A_39 : memref<128x128xf32, #tpu.memory_space<vmem>>) offsets(%dma_start3A_42 : memref<128xi32, #tpu.memory_space<vmem>>) semaphore(%dma_start3A_47 : memref<!tpu.dma_semaphore, #tpu.memory_space<semaphore_mem>>)
      %add3A_48 = arith.constant 1 : i32
      %add3A_49 = arith.addi %add3A_34, %add3A_48 : i32
      %dma_start3A_50 = arith.constant 1 : i32
      %dma_start3A_51 = arith.constant 1 : i32
      %dma_start3A_52 = arith.constant 0 : i32
      %dma_start3A_53 = arith.constant 0 : i32
      %dma_start3A_54 = tpu.memref_slice %arg8[%dma_start3A_50, %dma_start3A_52, %dma_start3A_53] : memref<2x128x128xf32, #tpu.memory_space<vmem>> -> memref<1x128x128xf32, #tpu.memory_space<vmem>>
      %dma_start3A_55 = tpu.memref_squeeze %dma_start3A_54 : memref<1x128x128xf32, #tpu.memory_space<vmem>> -> memref<128x128xf32, #tpu.memory_space<vmem>>
      %dma_start3A_56 = arith.constant 0 : i32
      %dma_start3A_57 = tpu.memref_slice %arg6[%add3A_49, %dma_start3A_56] : memref<80x128xi32, #tpu.memory_space<vmem>> -> memref<1x128xi32, #tpu.memory_space<vmem>>
      %dma_start3A_58 = tpu.memref_squeeze %dma_start3A_57 : memref<1x128xi32, #tpu.memory_space<vmem>> -> memref<128xi32, #tpu.memory_space<vmem>>
      %dma_start3A_59 = arith.constant 0 : i32
      %dma_start3A_60 = arith.constant 0 : i32
      %dma_start3A_61 = tpu.memref_slice %arg2[%dma_start3A_59, %dma_start3A_60] : memref<10000x128xf32, #tpu.memory_space<hbm>> -> memref<10000x128xf32, #tpu.memory_space<hbm>>
      %dma_start3A_62 = tpu.memref_slice %arg10[%dma_start3A_51] : memref<2x!tpu.dma_semaphore, #tpu.memory_space<semaphore_mem>> -> memref<1x!tpu.dma_semaphore, #tpu.memory_space<semaphore_mem>>
      %dma_start3A_63 = tpu.memref_squeeze %dma_start3A_62 : memref<1x!tpu.dma_semaphore, #tpu.memory_space<semaphore_mem>> -> memref<!tpu.dma_semaphore, #tpu.memory_space<semaphore_mem>>
      tpu.enqueue_indirect_dma source(%dma_start3A_61 : memref<10000x128xf32, #tpu.memory_space<hbm>>) target(%dma_start3A_55 : memref<128x128xf32, #tpu.memory_space<vmem>>) offsets(%dma_start3A_58 : memref<128xi32, #tpu.memory_space<vmem>>) semaphore(%dma_start3A_63 : memref<!tpu.dma_semaphore, #tpu.memory_space<semaphore_mem>>)
      %dma_wait3A = arith.constant 0 : i32
      %dma_wait3A_64 = arith.constant 0 : i32
      %dma_wait3A_65 = arith.constant 0 : i32
      %dma_wait3A_66 = arith.constant 0 : i32
      %dma_wait3A_67 = tpu.memref_slice %arg8[%dma_wait3A, %dma_wait3A_65, %dma_wait3A_66] : memref<2x128x128xf32, #tpu.memory_space<vmem>> -> memref<1x128x128xf32, #tpu.memory_space<vmem>>
      %dma_wait3A_68 = tpu.memref_squeeze %dma_wait3A_67 : memref<1x128x128xf32, #tpu.memory_space<vmem>> -> memref<128x128xf32, #tpu.memory_space<vmem>>
      %dma_wait3A_69 = arith.constant 0 : i32
      %dma_wait3A_70 = tpu.memref_slice %arg6[%add3A_34, %dma_wait3A_69] : memref<80x128xi32, #tpu.memory_space<vmem>> -> memref<1x128xi32, #tpu.memory_space<vmem>>
      %dma_wait3A_71 = tpu.memref_squeeze %dma_wait3A_70 : memref<1x128xi32, #tpu.memory_space<vmem>> -> memref<128xi32, #tpu.memory_space<vmem>>
      %dma_wait3A_72 = arith.constant 0 : i32
      %dma_wait3A_73 = arith.constant 0 : i32
      %dma_wait3A_74 = tpu.memref_slice %arg2[%dma_wait3A_72, %dma_wait3A_73] : memref<10000x128xf32, #tpu.memory_space<hbm>> -> memref<10000x128xf32, #tpu.memory_space<hbm>>
      %dma_wait3A_75 = tpu.memref_slice %arg10[%dma_wait3A_64] : memref<2x!tpu.dma_semaphore, #tpu.memory_space<semaphore_mem>> -> memref<1x!tpu.dma_semaphore, #tpu.memory_space<semaphore_mem>>
      %dma_wait3A_76 = tpu.memref_squeeze %dma_wait3A_75 : memref<1x!tpu.dma_semaphore, #tpu.memory_space<semaphore_mem>> -> memref<!tpu.dma_semaphore, #tpu.memory_space<semaphore_mem>>
      tpu.wait_indirect_dma semaphore(%dma_wait3A_76 : memref<!tpu.dma_semaphore, #tpu.memory_space<semaphore_mem>>) src(%dma_wait3A_74 : memref<10000x128xf32, #tpu.memory_space<hbm>>) dst(%dma_wait3A_68 : memref<128x128xf32, #tpu.memory_space<vmem>>)
      %dma_wait3A_77 = arith.constant 1 : i32
      %dma_wait3A_78 = arith.constant 1 : i32
      %dma_wait3A_79 = arith.constant 0 : i32
      %dma_wait3A_80 = arith.constant 0 : i32
      %dma_wait3A_81 = tpu.memref_slice %arg8[%dma_wait3A_77, %dma_wait3A_79, %dma_wait3A_80] : memref<2x128x128xf32, #tpu.memory_space<vmem>> -> memref<1x128x128xf32, #tpu.memory_space<vmem>>
      %dma_wait3A_82 = tpu.memref_squeeze %dma_wait3A_81 : memref<1x128x128xf32, #tpu.memory_space<vmem>> -> memref<128x128xf32, #tpu.memory_space<vmem>>
      %dma_wait3A_83 = arith.constant 0 : i32
      %dma_wait3A_84 = tpu.memref_slice %arg6[%add3A_49, %dma_wait3A_83] : memref<80x128xi32, #tpu.memory_space<vmem>> -> memref<1x128xi32, #tpu.memory_space<vmem>>
      %dma_wait3A_85 = tpu.memref_squeeze %dma_wait3A_84 : memref<1x128xi32, #tpu.memory_space<vmem>> -> memref<128xi32, #tpu.memory_space<vmem>>
      %dma_wait3A_86 = arith.constant 0 : i32
      %dma_wait3A_87 = arith.constant 0 : i32
      %dma_wait3A_88 = tpu.memref_slice %arg2[%dma_wait3A_86, %dma_wait3A_87] : memref<10000x128xf32, #tpu.memory_space<hbm>> -> memref<10000x128xf32, #tpu.memory_space<hbm>>
      %dma_wait3A_89 = tpu.memref_slice %arg10[%dma_wait3A_78] : memref<2x!tpu.dma_semaphore, #tpu.memory_space<semaphore_mem>> -> memref<1x!tpu.dma_semaphore, #tpu.memory_space<semaphore_mem>>
      %dma_wait3A_90 = tpu.memref_squeeze %dma_wait3A_89 : memref<1x!tpu.dma_semaphore, #tpu.memory_space<semaphore_mem>> -> memref<!tpu.dma_semaphore, #tpu.memory_space<semaphore_mem>>
      tpu.wait_indirect_dma semaphore(%dma_wait3A_90 : memref<!tpu.dma_semaphore, #tpu.memory_space<semaphore_mem>>) src(%dma_wait3A_88 : memref<10000x128xf32, #tpu.memory_space<hbm>>) dst(%dma_wait3A_82 : memref<128x128xf32, #tpu.memory_space<vmem>>)
      %mul3A_91 = arith.constant 2 : i32
      %mul3A_92 = arith.muli %mul3A_91, %scan3A_30 : i32
      %run_scoped3A_93 = arith.constant 0 : i32
      "tpu.region"() ({
        %run_scoped3A_99 = tpu.sem_alloc : memref<!tpu.dma_semaphore, #tpu.memory_space<semaphore_mem>>
        %dma_start3A_100 = arith.constant 0 : i32
        %dma_start3A_101 = arith.constant 0 : i32
        %dma_start3A_102 = tpu.memref_slice %arg8[%run_scoped3A_93, %dma_start3A_100, %dma_start3A_101] : memref<2x128x128xf32, #tpu.memory_space<vmem>> -> memref<1x128x128xf32, #tpu.memory_space<vmem>>
        %dma_start3A_103 = tpu.memref_squeeze %dma_start3A_102 : memref<1x128x128xf32, #tpu.memory_space<vmem>> -> memref<128x128xf32, #tpu.memory_space<vmem>>
        %dma_start3A_104 = arith.constant 0 : i32
        %dma_start3A_105 = tpu.memref_slice %arg7[%mul3A_92, %dma_start3A_104] : memref<40x128xi32, #tpu.memory_space<vmem>> -> memref<1x128xi32, #tpu.memory_space<vmem>>
        %dma_start3A_106 = tpu.memref_squeeze %dma_start3A_105 : memref<1x128xi32, #tpu.memory_space<vmem>> -> memref<128xi32, #tpu.memory_space<vmem>>
        %dma_start3A_107 = arith.constant 0 : i32
        %dma_start3A_108 = arith.constant 0 : i32
        %dma_start3A_109 = tpu.memref_slice %arg9[%dma_start3A_107, %dma_start3A_108] : memref<10008x128xf32, #tpu.memory_space<vmem_shared>> -> memref<10008x128xf32, #tpu.memory_space<vmem_shared>>
        tpu.enqueue_indirect_dma source(%dma_start3A_103 : memref<128x128xf32, #tpu.memory_space<vmem>>) target(%dma_start3A_109 : memref<10008x128xf32, #tpu.memory_space<vmem_shared>>) offsets(%dma_start3A_106 : memref<128xi32, #tpu.memory_space<vmem>>) semaphore(%run_scoped3A_99 : memref<!tpu.dma_semaphore, #tpu.memory_space<semaphore_mem>>) {add = true}
        %dma_wait3A_110 = arith.constant 0 : i32
        %dma_wait3A_111 = arith.constant 0 : i32
        %dma_wait3A_112 = tpu.memref_slice %arg8[%run_scoped3A_93, %dma_wait3A_110, %dma_wait3A_111] : memref<2x128x128xf32, #tpu.memory_space<vmem>> -> memref<1x128x128xf32, #tpu.memory_space<vmem>>
        %dma_wait3A_113 = tpu.memref_squeeze %dma_wait3A_112 : memref<1x128x128xf32, #tpu.memory_space<vmem>> -> memref<128x128xf32, #tpu.memory_space<vmem>>
        %dma_wait3A_114 = arith.constant 0 : i32
        %dma_wait3A_115 = tpu.memref_slice %arg7[%mul3A_92, %dma_wait3A_114] : memref<40x128xi32, #tpu.memory_space<vmem>> -> memref<1x128xi32, #tpu.memory_space<vmem>>
        %dma_wait3A_116 = tpu.memref_squeeze %dma_wait3A_115 : memref<1x128xi32, #tpu.memory_space<vmem>> -> memref<128xi32, #tpu.memory_space<vmem>>
        %dma_wait3A_117 = arith.constant 0 : i32
        %dma_wait3A_118 = arith.constant 0 : i32
        %dma_wait3A_119 = tpu.memref_slice %arg9[%dma_wait3A_117, %dma_wait3A_118] : memref<10008x128xf32, #tpu.memory_space<vmem_shared>> -> memref<10008x128xf32, #tpu.memory_space<vmem_shared>>
        tpu.wait_indirect_dma semaphore(%run_scoped3A_99 : memref<!tpu.dma_semaphore, #tpu.memory_space<semaphore_mem>>) src(%dma_wait3A_113 : memref<128x128xf32, #tpu.memory_space<vmem>>) dst(%dma_wait3A_119 : memref<10008x128xf32, #tpu.memory_space<vmem_shared>>)
        tpu.yield
      }) : () -> ()
      %mul3A_94 = arith.constant 2 : i32
      %mul3A_95 = arith.muli %mul3A_94, %scan3A_30 : i32
      %add3A_96 = arith.constant 1 : i32
      %add3A_97 = arith.addi %mul3A_95, %add3A_96 : i32
      %run_scoped3A_98 = arith.constant 1 : i32
      "tpu.region"() ({
        %run_scoped3A_99 = tpu.sem_alloc : memref<!tpu.dma_semaphore, #tpu.memory_space<semaphore_mem>>
        %dma_start3A_100 = arith.constant 0 : i32
        %dma_start3A_101 = arith.constant 0 : i32
        %dma_start3A_102 = tpu.memref_slice %arg8[%run_scoped3A_98, %dma_start3A_100, %dma_start3A_101] : memref<2x128x128xf32, #tpu.memory_space<vmem>> -> memref<1x128x128xf32, #tpu.memory_space<vmem>>
        %dma_start3A_103 = tpu.memref_squeeze %dma_start3A_102 : memref<1x128x128xf32, #tpu.memory_space<vmem>> -> memref<128x128xf32, #tpu.memory_space<vmem>>
        %dma_start3A_104 = arith.constant 0 : i32
        %dma_start3A_105 = tpu.memref_slice %arg7[%add3A_97, %dma_start3A_104] : memref<40x128xi32, #tpu.memory_space<vmem>> -> memref<1x128xi32, #tpu.memory_space<vmem>>
        %dma_start3A_106 = tpu.memref_squeeze %dma_start3A_105 : memref<1x128xi32, #tpu.memory_space<vmem>> -> memref<128xi32, #tpu.memory_space<vmem>>
        %dma_start3A_107 = arith.constant 0 : i32
        %dma_start3A_108 = arith.constant 0 : i32
        %dma_start3A_109 = tpu.memref_slice %arg9[%dma_start3A_107, %dma_start3A_108] : memref<10008x128xf32, #tpu.memory_space<vmem_shared>> -> memref<10008x128xf32, #tpu.memory_space<vmem_shared>>
        tpu.enqueue_indirect_dma source(%dma_start3A_103 : memref<128x128xf32, #tpu.memory_space<vmem>>) target(%dma_start3A_109 : memref<10008x128xf32, #tpu.memory_space<vmem_shared>>) offsets(%dma_start3A_106 : memref<128xi32, #tpu.memory_space<vmem>>) semaphore(%run_scoped3A_99 : memref<!tpu.dma_semaphore, #tpu.memory_space<semaphore_mem>>) {add = true}
        %dma_wait3A_110 = arith.constant 0 : i32
        %dma_wait3A_111 = arith.constant 0 : i32
        %dma_wait3A_112 = tpu.memref_slice %arg8[%run_scoped3A_98, %dma_wait3A_110, %dma_wait3A_111] : memref<2x128x128xf32, #tpu.memory_space<vmem>> -> memref<1x128x128xf32, #tpu.memory_space<vmem>>
        %dma_wait3A_113 = tpu.memref_squeeze %dma_wait3A_112 : memref<1x128x128xf32, #tpu.memory_space<vmem>> -> memref<128x128xf32, #tpu.memory_space<vmem>>
        %dma_wait3A_114 = arith.constant 0 : i32
        %dma_wait3A_115 = tpu.memref_slice %arg7[%add3A_97, %dma_wait3A_114] : memref<40x128xi32, #tpu.memory_space<vmem>> -> memref<1x128xi32, #tpu.memory_space<vmem>>
        %dma_wait3A_116 = tpu.memref_squeeze %dma_wait3A_115 : memref<1x128xi32, #tpu.memory_space<vmem>> -> memref<128xi32, #tpu.memory_space<vmem>>
        %dma_wait3A_117 = arith.constant 0 : i32
        %dma_wait3A_118 = arith.constant 0 : i32
        %dma_wait3A_119 = tpu.memref_slice %arg9[%dma_wait3A_117, %dma_wait3A_118] : memref<10008x128xf32, #tpu.memory_space<vmem_shared>> -> memref<10008x128xf32, #tpu.memory_space<vmem_shared>>
        tpu.wait_indirect_dma semaphore(%run_scoped3A_99 : memref<!tpu.dma_semaphore, #tpu.memory_space<semaphore_mem>>) src(%dma_wait3A_113 : memref<128x128xf32, #tpu.memory_space<vmem>>) dst(%dma_wait3A_119 : memref<10008x128xf32, #tpu.memory_space<vmem_shared>>)
        tpu.yield
      }) : () -> ()
    }
    %scan3A_11 = arith.constant 20 : i32
    %run_scoped3A_12 = arith.constant 1 : i32
    "tpu.region"() ({
      %run_scoped3A_30 = tpu.sem_alloc : memref<!tpu.dma_semaphore, #tpu.memory_space<semaphore_mem>>
      %dma_start3A = arith.constant 0 : i32
      %dma_start3A_31 = arith.constant 0 : i32
      %dma_start3A_32 = tpu.memref_slice %arg4[%add3A, %run_scoped3A_12, %dma_start3A, %dma_start3A_31] : memref<32x2x40x128xi32, #tpu.memory_space<hbm>> -> memref<1x1x40x128xi32, #tpu.memory_space<hbm>>
      %dma_start3A_33 = tpu.memref_squeeze %dma_start3A_32 : memref<1x1x40x128xi32, #tpu.memory_space<hbm>> -> memref<40x128xi32, #tpu.memory_space<hbm>>
      %dma_start3A_34 = arith.constant 0 : i32
      %dma_start3A_35 = arith.constant 0 : i32
      %dma_start3A_36 = tpu.memref_slice %arg4[%add3A, %run_scoped3A_12, %dma_start3A_34, %dma_start3A_35] : memref<32x2x40x128xi32, #tpu.memory_space<hbm>> -> memref<1x1x40x128xi32, #tpu.memory_space<hbm>>
      %dma_start3A_37 = tpu.memref_squeeze %dma_start3A_36 : memref<1x1x40x128xi32, #tpu.memory_space<hbm>> -> memref<40x128xi32, #tpu.memory_space<hbm>>
      tpu.enqueue_dma source(%dma_start3A_37 : memref<40x128xi32, #tpu.memory_space<hbm>>) target(%arg7 : memref<40x128xi32, #tpu.memory_space<vmem>>) target_semaphore(%run_scoped3A_30 : memref<!tpu.dma_semaphore, #tpu.memory_space<semaphore_mem>>)
      %dma_wait3A = arith.constant 0 : i32
      %dma_wait3A_38 = arith.constant 0 : i32
      %dma_wait3A_39 = tpu.memref_slice %arg4[%add3A, %run_scoped3A_12, %dma_wait3A, %dma_wait3A_38] : memref<32x2x40x128xi32, #tpu.memory_space<hbm>> -> memref<1x1x40x128xi32, #tpu.memory_space<hbm>>
      %dma_wait3A_40 = tpu.memref_squeeze %dma_wait3A_39 : memref<1x1x40x128xi32, #tpu.memory_space<hbm>> -> memref<40x128xi32, #tpu.memory_space<hbm>>
      %dma_wait3A_41 = arith.constant 0 : i32
      %dma_wait3A_42 = arith.constant 0 : i32
      %dma_wait3A_43 = tpu.memref_slice %arg4[%add3A, %run_scoped3A_12, %dma_wait3A_41, %dma_wait3A_42] : memref<32x2x40x128xi32, #tpu.memory_space<hbm>> -> memref<1x1x40x128xi32, #tpu.memory_space<hbm>>
      %dma_wait3A_44 = tpu.memref_squeeze %dma_wait3A_43 : memref<1x1x40x128xi32, #tpu.memory_space<hbm>> -> memref<40x128xi32, #tpu.memory_space<hbm>>
      tpu.wait_dma2 semaphore(%run_scoped3A_30 : memref<!tpu.dma_semaphore, #tpu.memory_space<semaphore_mem>>) src(%dma_wait3A_44 : memref<40x128xi32, #tpu.memory_space<hbm>>) dst(%arg7 : memref<40x128xi32, #tpu.memory_space<vmem>>)
      tpu.yield
    }) : () -> ()
    %scan3A_13 = arith.constant 0 : i32
    %scan3A_14 = arith.constant 0 : i32
    %scan3A_15 = arith.constant 20 : i32
    %scan3A_16 = arith.addi %scan3A_14, %scan3A_15 : i32
    %scan3A_17 = arith.constant 1 : i32
    scf.for %scan3A_30 = %scan3A_14 to %scan3A_16 step %scan3A_17  : i32 {
      %mul3A_31 = arith.constant 2 : i32
      %mul3A_32 = arith.muli %mul3A_31, %scan3A_30 : i32
      %add3A_33 = arith.constant 40 : i32
      %add3A_34 = arith.addi %add3A_33, %mul3A_32 : i32
      %dma_start3A = arith.constant 0 : i32
      %dma_start3A_35 = arith.constant 0 : i32
      %dma_start3A_36 = arith.constant 0 : i32
      %dma_start3A_37 = arith.constant 0 : i32
      %dma_start3A_38 = tpu.memref_slice %arg8[%dma_start3A, %dma_start3A_36, %dma_start3A_37] : memref<2x128x128xf32, #tpu.memory_space<vmem>> -> memref<1x128x128xf32, #tpu.memory_space<vmem>>
      %dma_start3A_39 = tpu.memref_squeeze %dma_start3A_38 : memref<1x128x128xf32, #tpu.memory_space<vmem>> -> memref<128x128xf32, #tpu.memory_space<vmem>>
      %dma_start3A_40 = arith.constant 0 : i32
      %dma_start3A_41 = tpu.memref_slice %arg6[%add3A_34, %dma_start3A_40] : memref<80x128xi32, #tpu.memory_space<vmem>> -> memref<1x128xi32, #tpu.memory_space<vmem>>
      %dma_start3A_42 = tpu.memref_squeeze %dma_start3A_41 : memref<1x128xi32, #tpu.memory_space<vmem>> -> memref<128xi32, #tpu.memory_space<vmem>>
      %dma_start3A_43 = arith.constant 0 : i32
      %dma_start3A_44 = arith.constant 0 : i32
      %dma_start3A_45 = tpu.memref_slice %arg2[%dma_start3A_43, %dma_start3A_44] : memref<10000x128xf32, #tpu.memory_space<hbm>> -> memref<10000x128xf32, #tpu.memory_space<hbm>>
      %dma_start3A_46 = tpu.memref_slice %arg10[%dma_start3A_35] : memref<2x!tpu.dma_semaphore, #tpu.memory_space<semaphore_mem>> -> memref<1x!tpu.dma_semaphore, #tpu.memory_space<semaphore_mem>>
      %dma_start3A_47 = tpu.memref_squeeze %dma_start3A_46 : memref<1x!tpu.dma_semaphore, #tpu.memory_space<semaphore_mem>> -> memref<!tpu.dma_semaphore, #tpu.memory_space<semaphore_mem>>
      tpu.enqueue_indirect_dma source(%dma_start3A_45 : memref<10000x128xf32, #tpu.memory_space<hbm>>) target(%dma_start3A_39 : memref<128x128xf32, #tpu.memory_space<vmem>>) offsets(%dma_start3A_42 : memref<128xi32, #tpu.memory_space<vmem>>) semaphore(%dma_start3A_47 : memref<!tpu.dma_semaphore, #tpu.memory_space<semaphore_mem>>)
      %add3A_48 = arith.constant 1 : i32
      %add3A_49 = arith.addi %add3A_34, %add3A_48 : i32
      %dma_start3A_50 = arith.constant 1 : i32
      %dma_start3A_51 = arith.constant 1 : i32
      %dma_start3A_52 = arith.constant 0 : i32
      %dma_start3A_53 = arith.constant 0 : i32
      %dma_start3A_54 = tpu.memref_slice %arg8[%dma_start3A_50, %dma_start3A_52, %dma_start3A_53] : memref<2x128x128xf32, #tpu.memory_space<vmem>> -> memref<1x128x128xf32, #tpu.memory_space<vmem>>
      %dma_start3A_55 = tpu.memref_squeeze %dma_start3A_54 : memref<1x128x128xf32, #tpu.memory_space<vmem>> -> memref<128x128xf32, #tpu.memory_space<vmem>>
      %dma_start3A_56 = arith.constant 0 : i32
      %dma_start3A_57 = tpu.memref_slice %arg6[%add3A_49, %dma_start3A_56] : memref<80x128xi32, #tpu.memory_space<vmem>> -> memref<1x128xi32, #tpu.memory_space<vmem>>
      %dma_start3A_58 = tpu.memref_squeeze %dma_start3A_57 : memref<1x128xi32, #tpu.memory_space<vmem>> -> memref<128xi32, #tpu.memory_space<vmem>>
      %dma_start3A_59 = arith.constant 0 : i32
      %dma_start3A_60 = arith.constant 0 : i32
      %dma_start3A_61 = tpu.memref_slice %arg2[%dma_start3A_59, %dma_start3A_60] : memref<10000x128xf32, #tpu.memory_space<hbm>> -> memref<10000x128xf32, #tpu.memory_space<hbm>>
      %dma_start3A_62 = tpu.memref_slice %arg10[%dma_start3A_51] : memref<2x!tpu.dma_semaphore, #tpu.memory_space<semaphore_mem>> -> memref<1x!tpu.dma_semaphore, #tpu.memory_space<semaphore_mem>>
      %dma_start3A_63 = tpu.memref_squeeze %dma_start3A_62 : memref<1x!tpu.dma_semaphore, #tpu.memory_space<semaphore_mem>> -> memref<!tpu.dma_semaphore, #tpu.memory_space<semaphore_mem>>
      tpu.enqueue_indirect_dma source(%dma_start3A_61 : memref<10000x128xf32, #tpu.memory_space<hbm>>) target(%dma_start3A_55 : memref<128x128xf32, #tpu.memory_space<vmem>>) offsets(%dma_start3A_58 : memref<128xi32, #tpu.memory_space<vmem>>) semaphore(%dma_start3A_63 : memref<!tpu.dma_semaphore, #tpu.memory_space<semaphore_mem>>)
      %dma_wait3A = arith.constant 0 : i32
      %dma_wait3A_64 = arith.constant 0 : i32
      %dma_wait3A_65 = arith.constant 0 : i32
      %dma_wait3A_66 = arith.constant 0 : i32
      %dma_wait3A_67 = tpu.memref_slice %arg8[%dma_wait3A, %dma_wait3A_65, %dma_wait3A_66] : memref<2x128x128xf32, #tpu.memory_space<vmem>> -> memref<1x128x128xf32, #tpu.memory_space<vmem>>
      %dma_wait3A_68 = tpu.memref_squeeze %dma_wait3A_67 : memref<1x128x128xf32, #tpu.memory_space<vmem>> -> memref<128x128xf32, #tpu.memory_space<vmem>>
      %dma_wait3A_69 = arith.constant 0 : i32
      %dma_wait3A_70 = tpu.memref_slice %arg6[%add3A_34, %dma_wait3A_69] : memref<80x128xi32, #tpu.memory_space<vmem>> -> memref<1x128xi32, #tpu.memory_space<vmem>>
      %dma_wait3A_71 = tpu.memref_squeeze %dma_wait3A_70 : memref<1x128xi32, #tpu.memory_space<vmem>> -> memref<128xi32, #tpu.memory_space<vmem>>
      %dma_wait3A_72 = arith.constant 0 : i32
      %dma_wait3A_73 = arith.constant 0 : i32
      %dma_wait3A_74 = tpu.memref_slice %arg2[%dma_wait3A_72, %dma_wait3A_73] : memref<10000x128xf32, #tpu.memory_space<hbm>> -> memref<10000x128xf32, #tpu.memory_space<hbm>>
      %dma_wait3A_75 = tpu.memref_slice %arg10[%dma_wait3A_64] : memref<2x!tpu.dma_semaphore, #tpu.memory_space<semaphore_mem>> -> memref<1x!tpu.dma_semaphore, #tpu.memory_space<semaphore_mem>>
      %dma_wait3A_76 = tpu.memref_squeeze %dma_wait3A_75 : memref<1x!tpu.dma_semaphore, #tpu.memory_space<semaphore_mem>> -> memref<!tpu.dma_semaphore, #tpu.memory_space<semaphore_mem>>
      tpu.wait_indirect_dma semaphore(%dma_wait3A_76 : memref<!tpu.dma_semaphore, #tpu.memory_space<semaphore_mem>>) src(%dma_wait3A_74 : memref<10000x128xf32, #tpu.memory_space<hbm>>) dst(%dma_wait3A_68 : memref<128x128xf32, #tpu.memory_space<vmem>>)
      %dma_wait3A_77 = arith.constant 1 : i32
      %dma_wait3A_78 = arith.constant 1 : i32
      %dma_wait3A_79 = arith.constant 0 : i32
      %dma_wait3A_80 = arith.constant 0 : i32
      %dma_wait3A_81 = tpu.memref_slice %arg8[%dma_wait3A_77, %dma_wait3A_79, %dma_wait3A_80] : memref<2x128x128xf32, #tpu.memory_space<vmem>> -> memref<1x128x128xf32, #tpu.memory_space<vmem>>
      %dma_wait3A_82 = tpu.memref_squeeze %dma_wait3A_81 : memref<1x128x128xf32, #tpu.memory_space<vmem>> -> memref<128x128xf32, #tpu.memory_space<vmem>>
      %dma_wait3A_83 = arith.constant 0 : i32
      %dma_wait3A_84 = tpu.memref_slice %arg6[%add3A_49, %dma_wait3A_83] : memref<80x128xi32, #tpu.memory_space<vmem>> -> memref<1x128xi32, #tpu.memory_space<vmem>>
      %dma_wait3A_85 = tpu.memref_squeeze %dma_wait3A_84 : memref<1x128xi32, #tpu.memory_space<vmem>> -> memref<128xi32, #tpu.memory_space<vmem>>
      %dma_wait3A_86 = arith.constant 0 : i32
      %dma_wait3A_87 = arith.constant 0 : i32
      %dma_wait3A_88 = tpu.memref_slice %arg2[%dma_wait3A_86, %dma_wait3A_87] : memref<10000x128xf32, #tpu.memory_space<hbm>> -> memref<10000x128xf32, #tpu.memory_space<hbm>>
      %dma_wait3A_89 = tpu.memref_slice %arg10[%dma_wait3A_78] : memref<2x!tpu.dma_semaphore, #tpu.memory_space<semaphore_mem>> -> memref<1x!tpu.dma_semaphore, #tpu.memory_space<semaphore_mem>>
      %dma_wait3A_90 = tpu.memref_squeeze %dma_wait3A_89 : memref<1x!tpu.dma_semaphore, #tpu.memory_space<semaphore_mem>> -> memref<!tpu.dma_semaphore, #tpu.memory_space<semaphore_mem>>
      tpu.wait_indirect_dma semaphore(%dma_wait3A_90 : memref<!tpu.dma_semaphore, #tpu.memory_space<semaphore_mem>>) src(%dma_wait3A_88 : memref<10000x128xf32, #tpu.memory_space<hbm>>) dst(%dma_wait3A_82 : memref<128x128xf32, #tpu.memory_space<vmem>>)
      %mul3A_91 = arith.constant 2 : i32
      %mul3A_92 = arith.muli %mul3A_91, %scan3A_30 : i32
      %run_scoped3A_93 = arith.constant 0 : i32
      "tpu.region"() ({
        %run_scoped3A_99 = tpu.sem_alloc : memref<!tpu.dma_semaphore, #tpu.memory_space<semaphore_mem>>
        %dma_start3A_100 = arith.constant 0 : i32
        %dma_start3A_101 = arith.constant 0 : i32
        %dma_start3A_102 = tpu.memref_slice %arg8[%run_scoped3A_93, %dma_start3A_100, %dma_start3A_101] : memref<2x128x128xf32, #tpu.memory_space<vmem>> -> memref<1x128x128xf32, #tpu.memory_space<vmem>>
        %dma_start3A_103 = tpu.memref_squeeze %dma_start3A_102 : memref<1x128x128xf32, #tpu.memory_space<vmem>> -> memref<128x128xf32, #tpu.memory_space<vmem>>
        %dma_start3A_104 = arith.constant 0 : i32
        %dma_start3A_105 = tpu.memref_slice %arg7[%mul3A_92, %dma_start3A_104] : memref<40x128xi32, #tpu.memory_space<vmem>> -> memref<1x128xi32, #tpu.memory_space<vmem>>
        %dma_start3A_106 = tpu.memref_squeeze %dma_start3A_105 : memref<1x128xi32, #tpu.memory_space<vmem>> -> memref<128xi32, #tpu.memory_space<vmem>>
        %dma_start3A_107 = arith.constant 0 : i32
        %dma_start3A_108 = arith.constant 0 : i32
        %dma_start3A_109 = tpu.memref_slice %arg9[%dma_start3A_107, %dma_start3A_108] : memref<10008x128xf32, #tpu.memory_space<vmem_shared>> -> memref<10008x128xf32, #tpu.memory_space<vmem_shared>>
        tpu.enqueue_indirect_dma source(%dma_start3A_103 : memref<128x128xf32, #tpu.memory_space<vmem>>) target(%dma_start3A_109 : memref<10008x128xf32, #tpu.memory_space<vmem_shared>>) offsets(%dma_start3A_106 : memref<128xi32, #tpu.memory_space<vmem>>) semaphore(%run_scoped3A_99 : memref<!tpu.dma_semaphore, #tpu.memory_space<semaphore_mem>>) {add = true}
        %dma_wait3A_110 = arith.constant 0 : i32
        %dma_wait3A_111 = arith.constant 0 : i32
        %dma_wait3A_112 = tpu.memref_slice %arg8[%run_scoped3A_93, %dma_wait3A_110, %dma_wait3A_111] : memref<2x128x128xf32, #tpu.memory_space<vmem>> -> memref<1x128x128xf32, #tpu.memory_space<vmem>>
        %dma_wait3A_113 = tpu.memref_squeeze %dma_wait3A_112 : memref<1x128x128xf32, #tpu.memory_space<vmem>> -> memref<128x128xf32, #tpu.memory_space<vmem>>
        %dma_wait3A_114 = arith.constant 0 : i32
        %dma_wait3A_115 = tpu.memref_slice %arg7[%mul3A_92, %dma_wait3A_114] : memref<40x128xi32, #tpu.memory_space<vmem>> -> memref<1x128xi32, #tpu.memory_space<vmem>>
        %dma_wait3A_116 = tpu.memref_squeeze %dma_wait3A_115 : memref<1x128xi32, #tpu.memory_space<vmem>> -> memref<128xi32, #tpu.memory_space<vmem>>
        %dma_wait3A_117 = arith.constant 0 : i32
        %dma_wait3A_118 = arith.constant 0 : i32
        %dma_wait3A_119 = tpu.memref_slice %arg9[%dma_wait3A_117, %dma_wait3A_118] : memref<10008x128xf32, #tpu.memory_space<vmem_shared>> -> memref<10008x128xf32, #tpu.memory_space<vmem_shared>>
        tpu.wait_indirect_dma semaphore(%run_scoped3A_99 : memref<!tpu.dma_semaphore, #tpu.memory_space<semaphore_mem>>) src(%dma_wait3A_113 : memref<128x128xf32, #tpu.memory_space<vmem>>) dst(%dma_wait3A_119 : memref<10008x128xf32, #tpu.memory_space<vmem_shared>>)
        tpu.yield
      }) : () -> ()
      %mul3A_94 = arith.constant 2 : i32
      %mul3A_95 = arith.muli %mul3A_94, %scan3A_30 : i32
      %add3A_96 = arith.constant 1 : i32
      %add3A_97 = arith.addi %mul3A_95, %add3A_96 : i32
      %run_scoped3A_98 = arith.constant 1 : i32
      "tpu.region"() ({
        %run_scoped3A_99 = tpu.sem_alloc : memref<!tpu.dma_semaphore, #tpu.memory_space<semaphore_mem>>
        %dma_start3A_100 = arith.constant 0 : i32
        %dma_start3A_101 = arith.constant 0 : i32
        %dma_start3A_102 = tpu.memref_slice %arg8[%run_scoped3A_98, %dma_start3A_100, %dma_start3A_101] : memref<2x128x128xf32, #tpu.memory_space<vmem>> -> memref<1x128x128xf32, #tpu.memory_space<vmem>>
        %dma_start3A_103 = tpu.memref_squeeze %dma_start3A_102 : memref<1x128x128xf32, #tpu.memory_space<vmem>> -> memref<128x128xf32, #tpu.memory_space<vmem>>
        %dma_start3A_104 = arith.constant 0 : i32
        %dma_start3A_105 = tpu.memref_slice %arg7[%add3A_97, %dma_start3A_104] : memref<40x128xi32, #tpu.memory_space<vmem>> -> memref<1x128xi32, #tpu.memory_space<vmem>>
        %dma_start3A_106 = tpu.memref_squeeze %dma_start3A_105 : memref<1x128xi32, #tpu.memory_space<vmem>> -> memref<128xi32, #tpu.memory_space<vmem>>
        %dma_start3A_107 = arith.constant 0 : i32
        %dma_start3A_108 = arith.constant 0 : i32
        %dma_start3A_109 = tpu.memref_slice %arg9[%dma_start3A_107, %dma_start3A_108] : memref<10008x128xf32, #tpu.memory_space<vmem_shared>> -> memref<10008x128xf32, #tpu.memory_space<vmem_shared>>
        tpu.enqueue_indirect_dma source(%dma_start3A_103 : memref<128x128xf32, #tpu.memory_space<vmem>>) target(%dma_start3A_109 : memref<10008x128xf32, #tpu.memory_space<vmem_shared>>) offsets(%dma_start3A_106 : memref<128xi32, #tpu.memory_space<vmem>>) semaphore(%run_scoped3A_99 : memref<!tpu.dma_semaphore, #tpu.memory_space<semaphore_mem>>) {add = true}
        %dma_wait3A_110 = arith.constant 0 : i32
        %dma_wait3A_111 = arith.constant 0 : i32
        %dma_wait3A_112 = tpu.memref_slice %arg8[%run_scoped3A_98, %dma_wait3A_110, %dma_wait3A_111] : memref<2x128x128xf32, #tpu.memory_space<vmem>> -> memref<1x128x128xf32, #tpu.memory_space<vmem>>
        %dma_wait3A_113 = tpu.memref_squeeze %dma_wait3A_112 : memref<1x128x128xf32, #tpu.memory_space<vmem>> -> memref<128x128xf32, #tpu.memory_space<vmem>>
        %dma_wait3A_114 = arith.constant 0 : i32
        %dma_wait3A_115 = tpu.memref_slice %arg7[%add3A_97, %dma_wait3A_114] : memref<40x128xi32, #tpu.memory_space<vmem>> -> memref<1x128xi32, #tpu.memory_space<vmem>>
        %dma_wait3A_116 = tpu.memref_squeeze %dma_wait3A_115 : memref<1x128xi32, #tpu.memory_space<vmem>> -> memref<128xi32, #tpu.memory_space<vmem>>
        %dma_wait3A_117 = arith.constant 0 : i32
        %dma_wait3A_118 = arith.constant 0 : i32
        %dma_wait3A_119 = tpu.memref_slice %arg9[%dma_wait3A_117, %dma_wait3A_118] : memref<10008x128xf32, #tpu.memory_space<vmem_shared>> -> memref<10008x128xf32, #tpu.memory_space<vmem_shared>>
        tpu.wait_indirect_dma semaphore(%run_scoped3A_99 : memref<!tpu.dma_semaphore, #tpu.memory_space<semaphore_mem>>) src(%dma_wait3A_113 : memref<128x128xf32, #tpu.memory_space<vmem>>) dst(%dma_wait3A_119 : memref<10008x128xf32, #tpu.memory_space<vmem_shared>>)
        tpu.yield
      }) : () -> ()
    }
    %scan3A_18 = arith.constant 20 : i32
    %barrier3A_19 = arith.constant 0 : index
    tpu.barrier barrier_id(%barrier3A_19)
    %lt3A_20 = arith.constant 15 : i32
    %lt3A_21 = arith.cmpi slt, %arg1, %lt3A_20 : i32
    %convert_element_type3A_22 = arith.extui %lt3A_21 : i1 to i32
    %cond3A_23 = arith.constant 0 : i32
    %cond3A_24 = arith.cmpi ne, %convert_element_type3A_22, %cond3A_23 : i32
    scf.if %cond3A_24 {
      %mul3A_30 = arith.constant 632 : i32
      %mul3A_31 = arith.muli %arg1, %mul3A_30 : i32
      %mul3A_32 = arith.constant 632 : i32
      %mul3A_33 = arith.muli %arg1, %mul3A_32 : i32
      "tpu.region"() ({
        %run_scoped3A_34 = tpu.sem_alloc : memref<!tpu.dma_semaphore, #tpu.memory_space<semaphore_mem>>
        %dma_start3A = arith.constant 0 : i32
        %dma_start3A_35 = tpu.memref_slice %arg5[%arg0, %mul3A_33, %dma_start3A] : memref<2x10000x128xf32, #tpu.memory_space<hbm>> -> memref<1x632x128xf32, #tpu.memory_space<hbm>>
        %dma_start3A_36 = tpu.memref_squeeze %dma_start3A_35 : memref<1x632x128xf32, #tpu.memory_space<hbm>> -> memref<632x128xf32, #tpu.memory_space<hbm>>
        %dma_start3A_37 = arith.constant 0 : i32
        %dma_start3A_38 = tpu.memref_slice %arg9[%mul3A_31, %dma_start3A_37] : memref<10008x128xf32, #tpu.memory_space<vmem_shared>> -> memref<632x128xf32, #tpu.memory_space<vmem_shared>>
        tpu.enqueue_dma source(%dma_start3A_38 : memref<632x128xf32, #tpu.memory_space<vmem_shared>>) target(%dma_start3A_36 : memref<632x128xf32, #tpu.memory_space<hbm>>) target_semaphore(%run_scoped3A_34 : memref<!tpu.dma_semaphore, #tpu.memory_space<semaphore_mem>>)
        %dma_wait3A = arith.constant 0 : i32
        %dma_wait3A_39 = tpu.memref_slice %arg5[%arg0, %mul3A_33, %dma_wait3A] : memref<2x10000x128xf32, #tpu.memory_space<hbm>> -> memref<1x632x128xf32, #tpu.memory_space<hbm>>
        %dma_wait3A_40 = tpu.memref_squeeze %dma_wait3A_39 : memref<1x632x128xf32, #tpu.memory_space<hbm>> -> memref<632x128xf32, #tpu.memory_space<hbm>>
        %dma_wait3A_41 = arith.constant 0 : i32
        %dma_wait3A_42 = tpu.memref_slice %arg9[%mul3A_31, %dma_wait3A_41] : memref<10008x128xf32, #tpu.memory_space<vmem_shared>> -> memref<632x128xf32, #tpu.memory_space<vmem_shared>>
        tpu.wait_dma2 semaphore(%run_scoped3A_34 : memref<!tpu.dma_semaphore, #tpu.memory_space<semaphore_mem>>) src(%dma_wait3A_42 : memref<632x128xf32, #tpu.memory_space<vmem_shared>>) dst(%dma_wait3A_40 : memref<632x128xf32, #tpu.memory_space<hbm>>)
        tpu.yield
      }) : () -> ()
    } else {
    }
    %eq3A_25 = arith.constant 15 : i32
    %eq3A_26 = arith.cmpi eq, %arg1, %eq3A_25 : i32
    %convert_element_type3A_27 = arith.extui %eq3A_26 : i1 to i32
    %cond3A_28 = arith.constant 0 : i32
    %cond3A_29 = arith.cmpi ne, %convert_element_type3A_27, %cond3A_28 : i32
    scf.if %cond3A_29 {
      "tpu.region"() ({
        %run_scoped3A_30 = tpu.sem_alloc : memref<!tpu.dma_semaphore, #tpu.memory_space<semaphore_mem>>
        %dma_start3A = arith.constant 9480 : i32
        %dma_start3A_31 = arith.constant 0 : i32
        %dma_start3A_32 = tpu.memref_slice %arg5[%arg0, %dma_start3A, %dma_start3A_31] : memref<2x10000x128xf32, #tpu.memory_space<hbm>> -> memref<1x520x128xf32, #tpu.memory_space<hbm>>
        %dma_start3A_33 = tpu.memref_squeeze %dma_start3A_32 : memref<1x520x128xf32, #tpu.memory_space<hbm>> -> memref<520x128xf32, #tpu.memory_space<hbm>>
        %dma_start3A_34 = arith.constant 9480 : i32
        %dma_start3A_35 = arith.constant 0 : i32
        %dma_start3A_36 = tpu.memref_slice %arg9[%dma_start3A_34, %dma_start3A_35] : memref<10008x128xf32, #tpu.memory_space<vmem_shared>> -> memref<520x128xf32, #tpu.memory_space<vmem_shared>>
        tpu.enqueue_dma source(%dma_start3A_36 : memref<520x128xf32, #tpu.memory_space<vmem_shared>>) target(%dma_start3A_33 : memref<520x128xf32, #tpu.memory_space<hbm>>) target_semaphore(%run_scoped3A_30 : memref<!tpu.dma_semaphore, #tpu.memory_space<semaphore_mem>>)
        %dma_wait3A = arith.constant 9480 : i32
        %dma_wait3A_37 = arith.constant 0 : i32
        %dma_wait3A_38 = tpu.memref_slice %arg5[%arg0, %dma_wait3A, %dma_wait3A_37] : memref<2x10000x128xf32, #tpu.memory_space<hbm>> -> memref<1x520x128xf32, #tpu.memory_space<hbm>>
        %dma_wait3A_39 = tpu.memref_squeeze %dma_wait3A_38 : memref<1x520x128xf32, #tpu.memory_space<hbm>> -> memref<520x128xf32, #tpu.memory_space<hbm>>
        %dma_wait3A_40 = arith.constant 9480 : i32
        %dma_wait3A_41 = arith.constant 0 : i32
        %dma_wait3A_42 = tpu.memref_slice %arg9[%dma_wait3A_40, %dma_wait3A_41] : memref<10008x128xf32, #tpu.memory_space<vmem_shared>> -> memref<520x128xf32, #tpu.memory_space<vmem_shared>>
        tpu.wait_dma2 semaphore(%run_scoped3A_30 : memref<!tpu.dma_semaphore, #tpu.memory_space<semaphore_mem>>) src(%dma_wait3A_42 : memref<520x128xf32, #tpu.memory_space<vmem_shared>>) dst(%dma_wait3A_39 : memref<520x128xf32, #tpu.memory_space<hbm>>)
        tpu.yield
      }) : () -> ()
    } else {
    }
    return
  }
}

module attributes {stable_mosaic.version = 14 : i64} {
  func.func @tc_kernel(%arg0: i32, %arg1: memref<1000x128xf32, #tpu.memory_space<vmem>>, %arg2: memref<1000x128xf32, #tpu.memory_space<vmem>>, %arg3: memref<1000x128xf32, #tpu.memory_space<vmem>>, %arg4: memref<512x128xf32, #tpu.memory_space<vmem>>, %arg5: memref<1x512xf32, #tpu.memory_space<vmem>>, %arg6: memref<1000x512xf32, #tpu.memory_space<vmem>>) attributes {dimension_semantics = [#tpu.dimension_semantics<arbitrary>], iteration_bounds = array<i64: 10>, scalar_prefetch = 0 : i64, scratch_operands = 0 : i64, tpu.core_type = #tpu.core_type<tc>, window_params = [{transform_indices = @transform_0, window_bounds = array<i64: 1000, 128>}, {transform_indices = @transform_1, window_bounds = array<i64: 1000, 128>}, {transform_indices = @transform_2, window_bounds = array<i64: 1000, 128>}, {pipeline_mode = #tpu.pipeline_mode<synchronous>, transform_indices = @transform_3, window_bounds = array<i64: 512, 128>}, {pipeline_mode = #tpu.pipeline_mode<synchronous>, transform_indices = @transform_4, window_bounds = array<i64: 1, 512>}, {transform_indices = @transform_5, window_bounds = array<i64: 1000, 512>}]} {
    %get3A = arith.constant 0 : index
    %get3A_0 = arith.constant 0 : index
    %get3A_1 = vector.load %arg2[%get3A, %get3A_0] : memref<1000x128xf32, #tpu.memory_space<vmem>>, vector<1000x128xf32>
    %get3A_2 = arith.constant 0 : index
    %get3A_3 = arith.constant 0 : index
    %get3A_4 = vector.load %arg3[%get3A_2, %get3A_3] : memref<1000x128xf32, #tpu.memory_space<vmem>>, vector<1000x128xf32>
    %add3A = arith.addf %get3A_1, %get3A_4 : vector<1000x128xf32>
    %get3A_5 = arith.constant 0 : index
    %get3A_6 = arith.constant 0 : index
    %get3A_7 = vector.load %arg1[%get3A_5, %get3A_6] : memref<1000x128xf32, #tpu.memory_space<vmem>>, vector<1000x128xf32>
    %sub3A = arith.subf %add3A, %get3A_7 : vector<1000x128xf32>
    %get3A_8 = arith.constant 0 : index
    %get3A_9 = arith.constant 0 : index
    %get3A_10 = vector.load %arg4[%get3A_8, %get3A_9] : memref<512x128xf32, #tpu.memory_space<vmem>>, vector<512x128xf32>
    %dot_general3A = arith.constant dense<0.000000e+00> : vector<1000x512xf32>
    %dot_general3A_11 = tpu.matmul %sub3A, %get3A_10, %dot_general3A {dimension_numbers = #tpu.dot_dimension_numbers<[1], [1], [0], [0], [0, 0, 1, 0], [], []>, transpose_lhs_hint = false} : vector<1000x128xf32>, vector<512x128xf32>, vector<1000x512xf32> -> vector<1000x512xf32>
    %get3A_12 = arith.constant 0 : index
    %get3A_13 = arith.constant 0 : index
    %get3A_14 = vector.load %arg5[%get3A_12, %get3A_13] : memref<1x512xf32, #tpu.memory_space<vmem>>, vector<1x512xf32>
    %add3A_15 = vector.broadcast %get3A_14 : vector<1x512xf32> to vector<1000x512xf32>
    %add3A_16 = arith.addf %dot_general3A_11, %add3A_15 : vector<1000x512xf32>
    %swap3A = arith.constant 0 : index
    %swap3A_17 = arith.constant 0 : index
    %swap3A_18 = vector.load %arg6[%swap3A, %swap3A_17] : memref<1000x512xf32, #tpu.memory_space<vmem>>, vector<1000x512xf32>
    tpu.vector_store %arg6[%swap3A, %swap3A_17], %add3A_16 {strides = array<i32>} : memref<1000x512xf32, #tpu.memory_space<vmem>>, vector<1000x512xf32>,
    return
  }
  func.func @transform_0(%arg0: i32) -> (i32, i32) {
    %c0_i32 = arith.constant 0 : i32
    %c0_i32_0 = arith.constant 0 : i32
    return %arg0, %c0_i32 : i32, i32
  }
  func.func @transform_1(%arg0: i32) -> (i32, i32) {
    %c0_i32 = arith.constant 0 : i32
    %c0_i32_0 = arith.constant 0 : i32
    return %arg0, %c0_i32 : i32, i32
  }
  func.func @transform_2(%arg0: i32) -> (i32, i32) {
    %c0_i32 = arith.constant 0 : i32
    %c0_i32_0 = arith.constant 0 : i32
    return %arg0, %c0_i32 : i32, i32
  }
  func.func @transform_3(%arg0: i32) -> (i32, i32) {
    %c0_i32 = arith.constant 0 : i32
    %c0_i32_0 = arith.constant 0 : i32
    %c0_i32_1 = arith.constant 0 : i32
    return %c0_i32, %c0_i32_0 : i32, i32
  }
  func.func @transform_4(%arg0: i32) -> (i32, i32) {
    %c0_i32 = arith.constant 0 : i32
    %c0_i32_0 = arith.constant 0 : i32
    %c0_i32_1 = arith.constant 0 : i32
    return %c0_i32, %c0_i32_0 : i32, i32
  }
  func.func @transform_5(%arg0: i32) -> (i32, i32) {
    %c0_i32 = arith.constant 0 : i32
    %c0_i32_0 = arith.constant 0 : i32
    return %arg0, %c0_i32 : i32, i32
  }
}

</mosaic_0001>

<sc_bundles>
// kernel: kernel.4.cloned.1.call-start
scs
__scs_entry_jumppad:
0x0: {  	(pc) =	sbr.rel $0x88, $3  }
0x1: {  	(tag) =	ssettag $0x0;
	lr =	simm.s32 $0x1  }
0x2: {  	[smem:$0x3F9D] =	sst lr;
	_ =	strace $0xD0000000  }
0x3: {  	_ = 	snop  }
0x4: {  	_ = 	snop  }
0x5: {  	_ = 	snop  }
0x6: {  	_ = 	snop  }
0x7: {  	_ = 	snop  }
__scs_overlays_trampoline_lowered:
0x8: {  	[smem:$0x3FAC] =	sst s0  }
0x9: {  	[smem:$0x3FAD] =	sst s1  }
0xa: {  	[smem:$0x3FAE] =	sst s2  }
0xb: {  	[smem:$0x3FAF] =	sst s3  }
0xc: {  	[smem:$0x3FB0] =	sst s4  }
0xd: {  	[smem:$0x3FB1] =	sst s5  }
0xe: {  	[smem:$0x3FB2] =	sst s6  }
0xf: {  	[smem:$0x3FB3] =	sst s7  }
0x10: {  	[smem:$0x3FB4] =	sst s8  }
0x11: {  	[smem:$0x3FB5] =	sst s9;
	s0 =	simm.s32 @!p0 $0x0  }
0x12: {  	s1 =	sld [smem:$0x3F9B];
	s0 =	simm.s32 @p0 $0x1  }
0x13: {  	[smem:$0x3FB6] =	sst s0;
	s0 =	simm.s32 @!p1 $0x0  }
0x14: {  	s2 =	sld [smem:$0x3F9A];
	s0 =	simm.s32 @p1 $0x1  }
0x15: {  	[smem:$0x3FB7] =	sst s0;
	s0 =	simm.s32 @!p2 $0x0  }
0x16: {  	s3 =	sld [smem:$0x3FDB];
	s0 =	simm.s32 @p2 $0x1  }
0x17: {  	s4 =	simm.s32 $0x1BF5;
	[smem:$0x3FB9] =	sst s0  }
0x18: {  	s0 =	sld [smem:$0x3F9C];
	_ =	swait.ge [sflag:s4], $0x0  }
0x19: {  	s7 =	sld [smem:$0x3F9D]  }
0x1a: {  	s8 =	sadd.s32 $0xFFFFE003, lr  }
0x1b: {  	s9 =	sadd.s32 $0xFFFFFEF7, lr;
	s5 =	simm.s32 $0xFFFFFFFF;
	p2 =	slt.u32 s8, $0xFFFFF086  }
0x1c: {  	p1 =	slt.u32 s9, $0xF7A;
	s5 =	simm.s32 @!p2 $0x0  }
0x1d: {  	s5 =	simm.s32 @p1 $0x1;
	p0 =	seq.s32 s7, s2  }
0x1e: {  	s7 =	smul.u32 @!p0 $0xF7A, s2;
	p2 =	seq.s32 @!p0 s5, $0x0  }
0x1f: {  	s9 =	smul.u32 $0xF7A, s1;
	s8 =	simm.s32 @!p0 $0x1BF5;
	p2 =	por !p2, p0  }
0x20: {  	[sflag:s8] =	ssyncset.s32 @!p0 $0xFFFFF086;
	s6 =	sadd.s32 @!p0 s3, s7;
	s7 =	simm.s32 @!p0 $0x108  }
0x21: {  	s3 =	sadd.s32 s3, s9;
	s6 =	sadd.s32 @!p0 $0x88, s6;
	s7 =	simm.s32 @p2 $0x1082  }
0x22: {  	[simem:s7], [sflag:s8] =	dma.local @!p0 [hbm:s6], $0xF7A  }
0x23: {  	s9 =	sor.u32 $0xD0000000, s2;
	s6 =	simm.s32 $0x108;
	_ =	swait.ge @!p0 [sflag:s8], $0x0  }
0x24: {  	s3 =	sadd.s32 $0x88, s3;
	s6 =	simm.s32 @!p1 $0x1082;
	[sflag:s4] =	ssyncset.s32 $0xFFFFF086  }
0x25: {  	[simem:s6], [sflag:s4] =	dma.local [hbm:s3], $0xF7A  }
0x26: {  	[smem:$0x3F9D] =	sst s1;
	(tag) =	ssettag s2;
	_ =	strace s9  }
0x27: {  	s1 =	sld [smem:$0x3FAD]  }
0x28: {  	s2 =	sld [smem:$0x3FAE]  }
0x29: {  	s4 =	sld [smem:$0x3FB0]  }
0x2a: {  	p0 =	seq.s32 s5, $0x0;
	s5 =	sld [smem:$0x3FB1]  }
0x2b: {  	s6 =	sld [smem:$0x3FB2]  }
0x2c: {  	s7 =	sld [smem:$0x3FB3]  }
0x2d: {  	s3 =	simm.s32 $0x108;
	s8 =	sld [smem:$0x3FB4]  }
0x2e: {  	s3 =	simm.s32 @!p0 $0x1082;
	s9 =	sld [smem:$0x3FB5]  }
0x2f: {  	lr =	sadd.s32 s0, s3;
	s0 =	sld [smem:$0x3FAC]  }
0x30: {  	s3 =	sld [smem:$0x3FAF]  }
0x31: {  	[smem:$0x3FB8] =	sst s10  }
0x32: {  	s10 =	sld [smem:$0x3FB6];
	_ =	sdelay $0x3  }
0x33: {  	p0 =	seq.s32 s10, $0x1;
	s10 =	sld [smem:$0x3FB8];
	_ =	sdelay $0x3  }
0x34: {  	[smem:$0x3FB8] =	sst s10  }
0x35: {  	s10 =	sld [smem:$0x3FB7];
	_ =	sdelay $0x3  }
0x36: {  	p1 =	seq.s32 s10, $0x1;
	s10 =	sld [smem:$0x3FB8];
	_ =	sdelay $0x3  }
0x37: {  	[smem:$0x3FB8] =	sst s10  }
0x38: {  	s10 =	sld [smem:$0x3FB9]  }
0x39: {  	_ = 	snop;
	(pc) =	sbr.ind lr, $3  }
0x3a: {  	_ = 	snop  }
0x3b: {  	_ = 	snop  }
0x3c: {  	p2 =	seq.s32 s10, $0x1;
	s10 =	sld [smem:$0x3FB8]  }
0x3d: {  	_ =	shalt  }
0x3e: {  	_ =	shalt  }
0x3f: {  	_ =	shalt  }
0x40: {  	_ =	shalt  }
0x41: {  	_ =	shalt  }
0x42: {  	_ =	shalt  }
0x43: {  	_ =	shalt  }
0x44: {  	_ =	shalt  }
0x45: {  	_ =	shalt  }
0x46: {  	_ =	shalt  }
0x47: {  	_ =	shalt  }
0x48: {  	_ =	shalt  }
0x49: {  	_ =	shalt  }
0x4a: {  	_ =	shalt  }
0x4b: {  	_ =	shalt  }
0x4c: {  	_ =	shalt  }
0x4d: {  	_ =	shalt  }
0x4e: {  	_ =	shalt  }
0x4f: {  	_ =	shalt  }
0x50: {  	_ =	shalt  }
0x51: {  	_ =	shalt  }
0x52: {  	_ =	shalt  }
0x53: {  	_ =	shalt  }
0x54: {  	_ =	shalt  }
0x55: {  	_ =	shalt  }
0x56: {  	_ =	shalt  }
0x57: {  	_ =	shalt  }
0x58: {  	_ =	shalt  }
0x59: {  	_ =	shalt  }
0x5a: {  	_ =	shalt  }
0x5b: {  	_ =	shalt  }
0x5c: {  	_ =	shalt  }
0x5d: {  	_ =	shalt  }
0x5e: {  	_ =	shalt  }
0x5f: {  	_ =	shalt  }
0x60: {  	_ =	shalt  }
0x61: {  	_ =	shalt  }
0x62: {  	_ =	shalt  }
0x63: {  	_ =	shalt  }
0x64: {  	_ =	shalt  }
0x65: {  	_ =	shalt  }
0x66: {  	_ =	shalt  }
0x67: {  	_ =	shalt  }
0x68: {  	_ =	shalt  }
0x69: {  	_ =	shalt  }
0x6a: {  	_ =	shalt  }
0x6b: {  	_ =	shalt  }
0x6c: {  	_ =	shalt  }
0x6d: {  	_ =	shalt  }
0x6e: {  	_ =	shalt  }
0x6f: {  	_ =	shalt  }
0x70: {  	_ =	shalt  }
0x71: {  	_ =	shalt  }
0x72: {  	_ =	shalt  }
0x73: {  	_ =	shalt  }
0x74: {  	_ =	shalt  }
0x75: {  	_ =	shalt  }
0x76: {  	_ =	shalt  }
0x77: {  	_ =	shalt  }
0x78: {  	_ =	shalt  }
0x79: {  	_ =	shalt  }
0x7a: {  	_ =	shalt  }
0x7b: {  	_ =	shalt  }
0x7c: {  	_ =	shalt  }
0x7d: {  	_ =	shalt  }
0x7e: {  	_ =	shalt  }
0x7f: {  	_ =	shalt  }
0x80: {  	_ =	shalt  }
0x81: {  	_ =	shalt  }
0x82: {  	_ =	shalt  }
0x83: {  	_ =	shalt  }
0x84: {  	_ =	shalt  }
0x85: {  	_ =	shalt  }
0x86: {  	_ =	shalt  }
0x87: {  	_ =	shalt  }
.Lfunc_end0:
.L_simem_size_0:
called_computation_lowered:
.L_overlay_start_0:
0x88: {  	s2 =	sld [smem:$0x3FD9]  }
0x89: {  	s3 =	sld [smem:$0x3FFE];
	_ =	sdelay $0x1  }
0x8a: {  	s1 =	srdreg.scid  }
0x8b: {  	s0 =	sand.u32 $0x1, s1  }
0x8c: {  	s17 =	sshll.u32 s0, $0xA;
	s2 =	sadd.s32 s3, s2  }
0x8d: {  	s2 =	sadd.s32 s2, s17  }
0x8e: {  	[smem:$0x3FC4] =	sst s2  }
0x8f: {  	_ = 	snop  }
0x90: {  	s2 =	sld [smem:$0x3FC9]  }
0x91: {  	s18 =	sld [smem:$0x3FD0];
	(tm) =	ssettm $0x1  }
0x92: {  	s4 =	sld [smem:$0x3FFB];
	_ =	sdelay $0x3  }
0x93: {  	_ =	strace s4  }
0x94: {  	s4 =	sld [smem:$0x3FFC];
	_ =	sdelay $0x3  }
0x95: {  	_ =	strace s4  }
0x96: {  	s4 =	sld [smem:$0x3FFD];
	_ =	sdelay $0x3  }
0x97: {  	_ =	strace s4  }
0x98: {  	_ =	strace $0x8FFFFFFF  }
0x99: {  	s19 =	sld [smem:$0x3FDB];
	_ =	sdelay $0x1  }
0x9a: {  	s5 =	simm.s32 $_scs_section_size  }
0x9b: {  	s6 =	simm.s32 $_size__tile_overlayer_lowered;
	s7 =	simm.s32 $_tile_overlayer_lowered  }
0x9c: {  	s22 =	simm.s32 $0x1BFF;
	s21 =	sshll.u32 s7, $0x1;
	s4 =	sadd.s32 s5, s19  }
0x9d: {  	s8 =	simm.s32 $0x0;
	s20 =	sshll.u32 s6, $0x1;
	s6 =	sadd.s32 s21, s4  }
0x9e: {  	[timem:s8], [sflag:s22] =	dma.local [hbm:s6], s20  }
0x9f: {  	_ =	swait.ge [sflag:s22], s20  }
0xa0: {  	s5 =	ssub.s32 $0x0, s20;
	[sflag:s22] =	ssyncset.done $0x0  }
0xa1: {  	[sflag:s22] =	ssyncadd.s32 s5;
	_ =	sdelay $0x1  }
0xa2: {  	s23 =	simm.s32 $0x1B8B  }
0xa3: {  	_ =	swait.ge [sflag:s23], $0x1  }
0xa4: {  	[sflag:s23] =	ssyncset.done $0x0  }
0xa5: {  	s25 =	simm.s32 $0x1B8E;
	s24 =	sld [smem:$0x3FFE];
	[sflag:s23] =	ssyncadd.s32 $0xFFFFFFFF  }
0xa6: {  	s26 =	simm.s32 $execute0_lowered;
	[smem:$0x3FD2] =	sst s25  }
0xa7: {  	s6 =	sshll.u32 s26, $0x1;
	_ =	strace $0x80000046;
	[dreg:$0x1] =	wrdreg $0xFFFFFFFF  }
0xa8: {  	s28 =	simm.s32 $_size_execute0_lowered;
	s4 =	sadd.s32 s4, s6;
	[dreg:$0x0] =	wrdreg $0x0  }
0xa9: {  	s6 =	sshll.u32 s28, $0x1;
	[dreg:$0x2] =	wrdreg s4  }
0xaa: {  	[dreg:$0x3] =	wrdreg s6  }
0xab: {  	[dreg:$0x4] =	wrdreg $0xC0  }
0xac: {  	_ =	task [dreg:s8], $0x5FFFF  }
0xad: {  	[dreg:$0x1] =	wrdreg $0xFFFFFFFF  }
0xae: {  	[dreg:$0x0] =	wrdreg $0x60  }
0xaf: {  	[dreg:$0x2] =	wrdreg s2  }
0xb0: {  	[dreg:$0x3] =	wrdreg s24  }
0xb1: {  	[dreg:$0x4] =	wrdreg s18  }
0xb2: {  	[dreg:$0x5] =	wrdreg $0xBC000  }
0xb3: {  	[dreg:$0x6] =	wrdreg $0x9  }
0xb4: {  	_ =	task.clear_ibuf [dreg:s8], $0x7FFFF;
	_ =	strace $0x90000046  }
0xb5: {  	s29 =	simm.s32 $0x9;
	_ =	strace $0x80000048  }
0xb6: {  	_ =	swait.ge [sflag:s29], $0x1  }
0xb7: {  	[sflag:s29] =	ssyncadd.s32 $0xFFFFFFFF  }
0xb8: {  	_ =	strace $0x90000048  }
0xb9: {  	_ =	sfence  }
0xba: {  	s30 =	sld [smem:$0x0];
	_ =	sdelay $0x2  }
0xbb: {  	s31 =	sshll.u32 s1, $0xD;
	s1 =	sshrl.u32 s1, $0x2  }
0xbc: {  	s3 =	sand.u32 $0x4000, s31;
	s1 =	sadd.s32 s1, s30  }
0xbd: {  	s0 =	sor.u32 s3, s0;
	s1 =	sshll.u32 s1, $0x11  }
0xbe: {  	s0 =	sor.u32 s1, s0  }
0xbf: {  	s0 =	sadd.s32 $0x8F2B, s0  }
0xc0: {  	[sflag:s0] =	ssyncadd.remote.s32 $0x1  }
0xc1: {  	_ =	sfence.sel $0xFFFF  }
0xc2: {  	[dreg:$0x0] =	wrdreg $0xFFFFFFFF;
	(pc) =	sbr.abs _section_cstart, $3  }
0xc3: {  	[dreg:$0x1] =	wrdreg $0xFFFFFFFF  }
0xc4: {  	_ =	task.clear_ibuf [dreg:s8], $0x2FFFF;
	_ =	strace $0x9FFFFFFF  }
0xc5: {  	(tm) =	ssettm $0x7FFFFFFF  }
tec
execute0_lowered:
.L_overlay_start_1:
0x0: {  	(tag) =	ssettag $0x1  }
0x1: {  	s0 =	rddreg [dreg:$0x0]  }
0x2: {  	s5 =	rddreg [dreg:$0x1]  }
0x3: {  	s1 =	srdreg.scid;
	s11 =	rddreg [dreg:$0x2]  }
0x4: {  	s3 =	rddreg [dreg:$0x3];
	s2 =	stileid.u32  }
0x5: {  	s4 =	simm.s32 $0x0;
	s18 =	simm.s32 $0x80;
	s19 =	simm.s32 $0x3C00  }
0x6: {  	s20 =	simm.s32 $0x7C00;
	s21 =	simm.s32 $0x1;
	s22 =	simm.s32 $0x2  }
0x7: {  	s6 =	sand.u32 $0x1, s1;
	s1 =	rddreg [dreg:$0x4];
	s8 =	smul.u32 $0x4F000, s2  }
0x8: {  	s23 =	simm.s32 $0x0;
	[smem:$0x7FF] =	sst s4;
	s10 =	smul.u32 $0x2780, s2  }
0x9: {  	s29 =	smul.u32 $0x13C00, s2;
	s15 =	sadd.s32 $0x128400, s3;
	p0 =	seq.s32 s2, $0xF  }
0xa: {  	s7 =	sshll.u32 s6, $0x4;
	_ =	strace $0x80000047;
	s9 =	ssub.s32 $0x2, s6  }
0xb: {  	s13 =	smul.u32 $0x138800, s6;
	s16 =	sshll.u32 @!p0 s2, $0x6;
	s15 =	sshrl.u32 @p0 s15, $0x3  }
0xc: {  	s7 =	sor.u32 s2, s7;
	s26 =	sshrl.u32 s9, $0x1;
	s28 =	sshrl.u32 s8, $0x2  }
0xd: {  	s8 =	sadd.s32 $0x25080, s0;
	s16 =	sor.u32 @!p0 $0x1C03, s16;
	s7 =	smul.u32 $0x2800, s7  }
0xe: {  	s14 =	ssub.s32 s9, s26;
	s17 =	sadd.s32 s28, s3;
	s30 =	sadd.s32 s29, s13  }
0xf: {  	s13 =	sshrl.u32 s13, $0x3;
	s31 =	sshrl.u32 s30, $0x3;
	s7 =	sshrl.u32 s7, $0x3  }
0x10: {  	s17 =	sshrl.u32 @!p0 s17, $0x3;
	s12 =	sadd.s32 s7, s5;
	s7 =	sadd.s32 s0, s10  }
0x11: {  	s10 =	sadd.s32 s11, s31;
	s11 =	sadd.s32 s11, s13;
	s13 =	simm.s32 $0x3  }
0x12: {  	s5 =	sadd.s32 $0xAA00, s12;
	s6 =	sadd.s32 $0xA00, s12;
	s9 =	sadd.s32 $0xC80, s12  }
0x13: {  	s11 =	sadd.s32 $0x25080, s11;
	s12 =	smax.u32 s14, $0x1;
	s14 =	simm.s32 $0x2800  }
.LBB2_1:
0x14: {  	[tilespmem:s4], [sflag:$0x3] =	stream.linear.gather [hbm4b:s5+s4], $0x2800, $0x38;
	[tilespmem:$0x1F4C0] =	vst v63  }
0x15: {  	_ =	swait.ge [sflag:s13], $0x2800  }
0x16: {  	[sflag:s13] =	ssyncset.done $0x0  }
0x17: {  	[sflag:s13] =	ssyncadd.s32 $0xFFFFD800  }
0x18: {  	[tilespmem:s14], [sflag:$0x3] =	stream.linear.gather [hbm4b:s6+s4], $0x1400, $0x38;
	[tilespmem:$0x1F4C0] =	vst v63  }
0x19: {  	_ =	swait.ge [sflag:s13], $0x1400  }
0x1a: {  	[sflag:s13] =	ssyncset.done $0x0  }
0x1b: {  	s24 =	simm.s32 @p0 $0x1FC3;
	[sflag:s13] =	ssyncadd.s32 $0xFFFFEC00  }
0x1c: {  	[spmem:s15], [sflag:s24] =	dma.local @p0 [hbm:s8], $0x2080  }
0x1d: {  	s24 =	simm.s32 @p0 $0x3  }
0x1e: {  	_ =	swait.ge @p0 [sflag:s24], $0x2080  }
0x1f: {  	[sflag:s24] =	ssyncset.done @p0 $0x0  }
0x20: {  	[sflag:s24] =	ssyncadd.s32 @p0 $0xFFFFDF80;
	s24 =	simm.s32 @!p0 $0x3  }
0x21: {  	[spmem:s17], [sflag:s16] =	dma.local @!p0 [hbm:s7], $0x2780  }
0x22: {  	_ =	swait.ge @!p0 [sflag:s24], $0x2780  }
0x23: {  	[sflag:s24] =	ssyncset.done @!p0 $0x0  }
0x24: {  	[sflag:s24] =	ssyncadd.s32 @!p0 $0xFFFFD880  }
0x25: {  	s28 =	simm.s32 $0x0;
	[bflag:$0x0] =	sbarrier.arrive $0xFFFF  }
0x26: {  	[tilespmem:s19], [sflag:$0x1] =	stream.indirect.gather [hbm4b:s0+s18], $0x80, s28, s18, $0xb8;
	[tilespmem:$0x1F4C0] =	vst v63  }
0x27: {  	s29 =	simm.s32 $0x80  }
0x28: {  	[tilespmem:s20], [sflag:$0x2] =	stream.indirect.gather [hbm4b:s0+s18], $0x80, s29, s18, $0xb8;
	[tilespmem:$0x1F4C0] =	vst v63  }
0x29: {  	_ =	swait.ge [sflag:s21], $0x4000  }
0x2a: {  	[sflag:s21] =	ssyncset.done $0x0  }
0x2b: {  	[sflag:s21] =	ssyncadd.s32 $0xFFFFC000  }
0x2c: {  	_ =	swait.ge [sflag:s22], $0x4000  }
0x2d: {  	[sflag:s22] =	ssyncset.done $0x0  }
0x2e: {  	s30 =	simm.s32 $0x2800;
	[sflag:s22] =	ssyncadd.s32 $0xFFFFC000  }
0x2f: {  	[spmem:s3] =	stream.indirect.scatter.add.f32 [tilespmem:s19], [sflag:$0x3], $0x80, s30, s18, $0xb8;
	[tilespmem:$0x1F4C0] =	vst v63  }
0x30: {  	_ =	swait.ge [sflag:s13], $0x4000  }
0x31: {  	[sflag:s13] =	ssyncset.done $0x0  }
0x32: {  	s31 =	simm.s32 $0x2880;
	[sflag:s13] =	ssyncadd.s32 $0xFFFFC000  }
0x33: {  	[spmem:s3] =	stream.indirect.scatter.add.f32 [tilespmem:s20], [sflag:$0x3], $0x80, s31, s18, $0xb8;
	[tilespmem:$0x1F4C0] =	vst v63  }
0x34: {  	_ =	swait.ge [sflag:s13], $0x4000  }
0x35: {  	s25 =	simm.s32 $0x800;
	s24 =	simm.s32 $0x400;
	[sflag:s13] =	ssyncset.done $0x0  }
.LBB2_2:
0x36: {  	s26 =	sshra.s32 s24, $0x2  }
0x37: {  	[sflag:s13] =	ssyncadd.s32 $0xFFFFC000;
	s24 =	smov.u32 s25;
	s28 =	sadd.s32 $0x400, s25  }
0x38: {  	[tilespmem:s19], [sflag:$0x1] =	stream.indirect.gather [hbm4b:s0+s18], $0x80, s26, s18, $0xb8;
	[tilespmem:$0x1F4C0] =	vst v63  }
0x39: {  	p1 =	sne.s32 s25, $0x4C00;
	s25 =	sadd.s32 $0x80, s26  }
0x3a: {  	[tilespmem:s20], [sflag:$0x2] =	stream.indirect.gather [hbm4b:s0+s18], $0x80, s25, s18, $0xb8;
	[tilespmem:$0x1F4C0] =	vst v63  }
0x3b: {  	_ =	swait.ge [sflag:s21], $0x4000  }
0x3c: {  	[sflag:s21] =	ssyncset.done $0x0  }
0x3d: {  	[sflag:s21] =	ssyncadd.s32 $0xFFFFC000  }
0x3e: {  	_ =	swait.ge [sflag:s22], $0x4000  }
0x3f: {  	[sflag:s22] =	ssyncset.done $0x0  }
0x40: {  	s25 =	sadd.s32 $0x2800, s26;
	[sflag:s22] =	ssyncadd.s32 $0xFFFFC000  }
0x41: {  	[spmem:s3] =	stream.indirect.scatter.add.f32 [tilespmem:s19], [sflag:$0x3], $0x80, s25, s18, $0xb8;
	[tilespmem:$0x1F4C0] =	vst v63  }
0x42: {  	_ =	swait.ge [sflag:s13], $0x4000  }
.Ltmp0:
0x43: {  	[sflag:s13] =	ssyncset.done $0x0;
	(pc) =	sbr.rel @p1 .LBB2_2-.Ltmp0, $4  }
0x44: {  	s25 =	sadd.s32 $0x2880, s26;
	[sflag:s13] =	ssyncadd.s32 $0xFFFFC000  }
0x45: {  	[spmem:s3] =	stream.indirect.scatter.add.f32 [tilespmem:s20], [sflag:$0x3], $0x80, s25, s18, $0xb8;
	[tilespmem:$0x1F4C0] =	vst v63  }
0x46: {  	_ =	swait.ge [sflag:s13], $0x4000  }
0x47: {  	s25 =	smov.u32 s28;
	[sflag:s13] =	ssyncset.done $0x0  }
0x48: {  	s24 =	sshra.s32 s24, $0x2;
	[sflag:s13] =	ssyncadd.s32 $0xFFFFC000  }
0x49: {  	[tilespmem:s19], [sflag:$0x1] =	stream.indirect.gather [hbm4b:s0+s18], $0x80, s24, s18, $0xb8;
	[tilespmem:$0x1F4C0] =	vst v63  }
0x4a: {  	s25 =	sadd.s32 $0x80, s24  }
0x4b: {  	[tilespmem:s20], [sflag:$0x2] =	stream.indirect.gather [hbm4b:s0+s18], $0x80, s25, s18, $0xb8;
	[tilespmem:$0x1F4C0] =	vst v63  }
0x4c: {  	_ =	swait.ge [sflag:s21], $0x4000  }
0x4d: {  	[sflag:s21] =	ssyncset.done $0x0  }
0x4e: {  	[sflag:s21] =	ssyncadd.s32 $0xFFFFC000  }
0x4f: {  	_ =	swait.ge [sflag:s22], $0x4000  }
0x50: {  	[sflag:s22] =	ssyncset.done $0x0  }
0x51: {  	s31 =	sadd.s32 $0x2800, s24;
	[sflag:s22] =	ssyncadd.s32 $0xFFFFC000  }
0x52: {  	[spmem:s3] =	stream.indirect.scatter.add.f32 [tilespmem:s19], [sflag:$0x3], $0x80, s31, s18, $0xb8;
	[tilespmem:$0x1F4C0] =	vst v63  }
0x53: {  	_ =	swait.ge [sflag:s13], $0x4000  }
0x54: {  	[sflag:s13] =	ssyncset.done $0x0  }
0x55: {  	s24 =	sadd.s32 $0x2880, s24;
	[sflag:s13] =	ssyncadd.s32 $0xFFFFC000  }
0x56: {  	[spmem:s3] =	stream.indirect.scatter.add.f32 [tilespmem:s20], [sflag:$0x3], $0x80, s24, s18, $0xb8;
	[tilespmem:$0x1F4C0] =	vst v63  }
0x57: {  	_ =	swait.ge [sflag:s13], $0x4000  }
0x58: {  	[sflag:s13] =	ssyncset.done $0x0  }
0x59: {  	s26 =	simm.s32 $0x0;
	[sflag:s13] =	ssyncadd.s32 $0xFFFFC000  }
0x5a: {  	[tilespmem:s14], [sflag:$0x3] =	stream.linear.gather [hbm4b:s9+s26], $0x1400, $0x38;
	[tilespmem:$0x1F4C0] =	vst v63  }
0x5b: {  	_ =	swait.ge [sflag:s13], $0x1400  }
0x5c: {  	[sflag:s13] =	ssyncset.done $0x0  }
0x5d: {  	s28 =	simm.s32 $0x1400;
	[sflag:s13] =	ssyncadd.s32 $0xFFFFEC00  }
0x5e: {  	[tilespmem:s19], [sflag:$0x1] =	stream.indirect.gather [hbm4b:s0+s18], $0x80, s28, s18, $0xb8;
	[tilespmem:$0x1F4C0] =	vst v63  }
0x5f: {  	s29 =	simm.s32 $0x1480  }
0x60: {  	[tilespmem:s20], [sflag:$0x2] =	stream.indirect.gather [hbm4b:s0+s18], $0x80, s29, s18, $0xb8;
	[tilespmem:$0x1F4C0] =	vst v63  }
0x61: {  	_ =	swait.ge [sflag:s21], $0x4000  }
0x62: {  	[sflag:s21] =	ssyncset.done $0x0  }
0x63: {  	[sflag:s21] =	ssyncadd.s32 $0xFFFFC000  }
0x64: {  	_ =	swait.ge [sflag:s22], $0x4000  }
0x65: {  	[sflag:s22] =	ssyncset.done $0x0  }
0x66: {  	s30 =	simm.s32 $0x2800;
	[sflag:s22] =	ssyncadd.s32 $0xFFFFC000  }
0x67: {  	[spmem:s3] =	stream.indirect.scatter.add.f32 [tilespmem:s19], [sflag:$0x3], $0x80, s30, s18, $0xb8;
	[tilespmem:$0x1F4C0] =	vst v63  }
0x68: {  	_ =	swait.ge [sflag:s13], $0x4000  }
0x69: {  	[sflag:s13] =	ssyncset.done $0x0  }
0x6a: {  	s31 =	simm.s32 $0x2880;
	[sflag:s13] =	ssyncadd.s32 $0xFFFFC000  }
0x6b: {  	[spmem:s3] =	stream.indirect.scatter.add.f32 [tilespmem:s20], [sflag:$0x3], $0x80, s31, s18, $0xb8;
	[tilespmem:$0x1F4C0] =	vst v63  }
0x6c: {  	_ =	swait.ge [sflag:s13], $0x4000  }
0x6d: {  	s25 =	simm.s32 $0x800;
	s24 =	simm.s32 $0x100;
	[sflag:s13] =	ssyncset.done $0x0  }
.LBB2_4:
0x6e: {  	s26 =	sadd.s32 $0x1400, s24  }
0x6f: {  	[sflag:s13] =	ssyncadd.s32 $0xFFFFC000;
	s28 =	smov.u32 s25;
	s29 =	sadd.s32 $0x400, s25  }
0x70: {  	[tilespmem:s19], [sflag:$0x1] =	stream.indirect.gather [hbm4b:s0+s18], $0x80, s26, s18, $0xb8;
	[tilespmem:$0x1F4C0] =	vst v63  }
0x71: {  	p1 =	sne.s32 s25, $0x4C00;
	s25 =	sadd.s32 $0x1480, s24  }
0x72: {  	[tilespmem:s20], [sflag:$0x2] =	stream.indirect.gather [hbm4b:s0+s18], $0x80, s25, s18, $0xb8;
	[tilespmem:$0x1F4C0] =	vst v63  }
0x73: {  	_ =	swait.ge [sflag:s21], $0x4000  }
0x74: {  	[sflag:s21] =	ssyncset.done $0x0  }
0x75: {  	[sflag:s21] =	ssyncadd.s32 $0xFFFFC000  }
0x76: {  	_ =	swait.ge [sflag:s22], $0x4000  }
0x77: {  	[sflag:s22] =	ssyncset.done $0x0  }
0x78: {  	s25 =	sadd.s32 $0x2800, s24;
	[sflag:s22] =	ssyncadd.s32 $0xFFFFC000  }
0x79: {  	[spmem:s3] =	stream.indirect.scatter.add.f32 [tilespmem:s19], [sflag:$0x3], $0x80, s25, s18, $0xb8;
	[tilespmem:$0x1F4C0] =	vst v63  }
0x7a: {  	_ =	swait.ge [sflag:s13], $0x4000  }
.Ltmp1:
0x7b: {  	[sflag:s13] =	ssyncset.done $0x0;
	(pc) =	sbr.rel @p1 .LBB2_4-.Ltmp1, $4  }
0x7c: {  	s24 =	sadd.s32 $0x2880, s24;
	[sflag:s13] =	ssyncadd.s32 $0xFFFFC000  }
0x7d: {  	[spmem:s3] =	stream.indirect.scatter.add.f32 [tilespmem:s20], [sflag:$0x3], $0x80, s24, s18, $0xb8;
	[tilespmem:$0x1F4C0] =	vst v63  }
0x7e: {  	_ =	swait.ge [sflag:s13], $0x4000  }
0x7f: {  	s25 =	smov.u32 s29;
	s24 =	sshra.s32 s28, $0x2;
	[sflag:s13] =	ssyncset.done $0x0  }
0x80: {  	s25 =	sadd.s32 $0x1400, s24;
	[sflag:s13] =	ssyncadd.s32 $0xFFFFC000  }
0x81: {  	[tilespmem:s19], [sflag:$0x1] =	stream.indirect.gather [hbm4b:s0+s18], $0x80, s25, s18, $0xb8;
	[tilespmem:$0x1F4C0] =	vst v63  }
0x82: {  	s29 =	sadd.s32 $0x1480, s24  }
0x83: {  	[tilespmem:s20], [sflag:$0x2] =	stream.indirect.gather [hbm4b:s0+s18], $0x80, s29, s18, $0xb8;
	[tilespmem:$0x1F4C0] =	vst v63  }
0x84: {  	_ =	swait.ge [sflag:s21], $0x4000  }
0x85: {  	[sflag:s21] =	ssyncset.done $0x0  }
0x86: {  	[sflag:s21] =	ssyncadd.s32 $0xFFFFC000  }
0x87: {  	_ =	swait.ge [sflag:s22], $0x4000  }
0x88: {  	[sflag:s22] =	ssyncset.done $0x0  }
0x89: {  	s30 =	sadd.s32 $0x2800, s24;
	[sflag:s22] =	ssyncadd.s32 $0xFFFFC000  }
0x8a: {  	[spmem:s3] =	stream.indirect.scatter.add.f32 [tilespmem:s19], [sflag:$0x3], $0x80, s30, s18, $0xb8;
	[tilespmem:$0x1F4C0] =	vst v63  }
0x8b: {  	_ =	swait.ge [sflag:s13], $0x4000  }
0x8c: {  	[sflag:s13] =	ssyncset.done $0x0  }
0x8d: {  	s31 =	sadd.s32 $0x2880, s24;
	[sflag:s13] =	ssyncadd.s32 $0xFFFFC000  }
0x8e: {  	[spmem:s3] =	stream.indirect.scatter.add.f32 [tilespmem:s20], [sflag:$0x3], $0x80, s31, s18, $0xb8;
	[tilespmem:$0x1F4C0] =	vst v63  }
0x8f: {  	_ =	swait.ge [sflag:s13], $0x4000  }
0x90: {  	[sflag:s13] =	ssyncset.done $0x0  }
0x91: {  	[sflag:s13] =	ssyncadd.s32 $0xFFFFC000  }
0x92: {  	s24 =	simm.s32 @p0 $0x1FC3;
	[bflag:$0x0] =	sbarrier.arrive $0xFFFF  }
0x93: {  	[hbm:s11], [sflag:s24] =	dma.local @p0 [spmem:s15], $0x2080  }
0x94: {  	s24 =	simm.s32 @p0 $0x3  }
0x95: {  	s23 =	sadd.s32 $0x1, s23;
	_ =	swait.ge @p0 [sflag:s24], $0x2080  }
0x96: {  	p1 =	sne.s32 s23, s12;
	[sflag:s24] =	ssyncset.done @p0 $0x0  }
.Ltmp2:
0x97: {  	[sflag:s24] =	ssyncadd.s32 @p0 $0xFFFFDF80;
	s24 =	simm.s32 @!p0 $0x3;
	(pc) =	sbr.rel @p1 .LBB2_1-.Ltmp2, $4  }
0x98: {  	[hbm:s10], [sflag:s16] =	dma.local @!p0 [spmem:s17], $0x2780  }
0x99: {  	_ =	swait.ge @!p0 [sflag:s24], $0x2780  }
0x9a: {  	[sflag:s24] =	ssyncset.done @!p0 $0x0  }
0x9b: {  	[sflag:s24] =	ssyncadd.s32 @!p0 $0xFFFFD880  }
0x9c: {  	_ =	sfence.sel $0x180000  }
0x9d: {  	[bflag:$0x0] =	sbarrier.arrive $0xFFFF  }
0x9e: {  	p0 =	sne.s32 s2, $0x0;
	_ =	strace $0x90000047  }
0x9f: {  	s0 =	sadd.s32 @!p0 $0x100000, s1;
	[bflag:$0x2] =	sbarrier.arrive $0xFFFF  }
0xa0: {  	[sflag:s0] =	ssyncadd.tile.s32 @!p0 $0x1;
	_ =	shalt  }
.Lfunc_end2:
_tile_overlayer_lowered:
.L_overlay_start_2:
0xa1: {  	(tag) =	ssettag $0x2  }
0xa2: {  	s0 =	rddreg [dreg:$0x0];
	s2 =	stileid.u32  }
0xa3: {  	s1 =	rddreg [dreg:$0x1];
	p0 =	sne.s32 s2, $0x0  }
0xa4: {  	s3 =	rddreg [dreg:$0x2];
	[bflag:$0x3] =	sbarrier.arrive $0xFFFF;
	s2 =	simm.s32 @!p0 $0x1C03  }
0xa5: {  	[timem:s3], [sflag:s2] =	dma.local @!p0 [hbm:s0], s1  }
0xa6: {  	s0 =	simm.s32 @!p0 $0x3  }
0xa7: {  	_ =	swait.ge @!p0 [sflag:s0], s1  }
0xa8: {  	s1 =	ssub.s32 @!p0 $0x0, s1;
	[sflag:s0] =	ssyncset.done @!p0 $0x0  }
0xa9: {  	[sflag:s0] =	ssyncadd.s32 @!p0 s1  }
0xaa: {  	[bflag:$0x3] =	sbarrier.arrive $0xFFFF  }
0xab: {  	_ =	shalt  }

</sc_bundles>
